<compile_context>
chip_gen: v7x
topology: tpu7x:2x2x1
jax: 0.10.2.dev20260603
libtpu: 0.0.44.dev20260713+nightly
codegen_flags: <defaults>
</compile_context>

<pallas_src>
import jax
import jax.numpy as jnp
from jax import lax
from jax.experimental import pallas as pl
from jax.experimental.pallas import tpu as pltpu
from jax.experimental.pallas import tpu_sc as plsc

E = 320000
N = 10000
L = 16
NC, NS = 2, 16
EB = 19968
EREM = E - NS * EB
NREM = EREM // 128
EH = EB // 2
HPAD = 10240
SLICE = HPAD // NS


def _body(edges, out_hbm, slab, ext, hist, acc, tmp, outv, outx, sem,
          hist_sh):
    c = lax.axis_index("c")
    s = lax.axis_index("s")

    cp = pltpu.async_copy(edges.at[:, pl.ds(s * EB, EB)], slab, sem)
    zv = jnp.zeros((L,), jnp.float32)

    def fill(i, carry):
        hist[pl.ds(i * 4 * L, L)] = zv
        hist[pl.ds(i * 4 * L + L, L)] = zv
        hist[pl.ds(i * 4 * L + 2 * L, L)] = zv
        hist[pl.ds(i * 4 * L + 3 * L, L)] = zv
        return carry
    lax.fori_loop(0, HPAD // L // 4, fill, 0)
    cp.wait()

    @pl.when(s < NREM)
    def _():
        pltpu.sync_copy(edges.at[:, pl.ds(NS * EB + s * 128, 128)], ext)

    def hupd(ids):
        cnt, ml = plsc.scan_count(ids)
        plsc.addupdate_scatter(hist, [ids], cnt.astype(jnp.float32), mask=ml)

    @plsc.parallel_loop(0, EB // L, 1, unroll=8)
    def _scan(j):
        hupd(slab[0, pl.ds(j * L, L)])

    @pl.when(s < NREM)
    def _():
        for k in range(128 // L):
            hupd(ext[0, pl.ds(k * L, L)])

    pltpu.sync_copy(hist, hist_sh.at[s])
    plsc.subcore_barrier()

    pltpu.sync_copy(hist_sh.at[:, pl.ds(s * SLICE, SLICE)], tmp)

    @plsc.parallel_loop(0, SLICE // L, 1, unroll=4)
    def _red(i):
        v = tmp[0, pl.ds(i * L, L)]
        for t in range(1, NS):
            v = v + tmp[t, pl.ds(i * L, L)]
        acc[pl.ds(i * L, L)] = v

    def rsq(i, carry):
        v = acc[pl.ds(i * L, L)]
        vv = jnp.maximum(v, 1.0)
        k = lax.bitcast_convert_type(vv, jnp.int32)
        y = lax.bitcast_convert_type(0x5F3759DF - (k >> 1), jnp.float32)
        y = y * (1.5 - ((0.5 * vv) * y) * y)
        y = y * (1.5 - ((0.5 * vv) * y) * y)
        y = y * (1.5 - ((0.5 * vv) * y) * y)
        acc[pl.ds(i * L, L)] = jnp.where(v > 0.5, y, 0.0)
        return carry
    lax.fori_loop(0, SLICE // L, rsq, 0)
    pltpu.sync_copy(acc, hist_sh.at[0, pl.ds(s * SLICE, SLICE)])
    plsc.subcore_barrier()

    pltpu.sync_copy(hist_sh.at[0], hist)
    half = c * EH

    @plsc.parallel_loop(0, EH // L, 1, unroll=8)
    def _gath(i):
        si = slab[0, pl.ds(half + i * L, L)]
        di = slab[1, pl.ds(half + i * L, L)]
        a = plsc.load_gather(hist, [si])
        b = plsc.load_gather(hist, [di])
        outv[pl.ds(i * L, L)] = a * b
    pltpu.sync_copy(outv, out_hbm.at[0, 0, pl.ds(s * EB + c * EH, EH)])

    @pl.when(jnp.logical_and(c == 1, s < NREM))
    def _():
        for k in range(128 // L):
            si = ext[0, pl.ds(k * L, L)]
            di = ext[1, pl.ds(k * L, L)]
            a = plsc.load_gather(hist, [si])
            b = plsc.load_gather(hist, [di])
            outx[pl.ds(k * L, L)] = a * b
        pltpu.sync_copy(outx, out_hbm.at[0, 0, pl.ds(NS * EB + s * 128, 128)])


def kernel(x_i, x_j, edge_index, num_nodes):
    mesh = plsc.VectorSubcoreMesh(
        core_axis_name="c", subcore_axis_name="s", num_cores=NC)
    run = pl.kernel(
        _body,
        out_type=jax.ShapeDtypeStruct((1, 1, E), jnp.float32),
        mesh=mesh,
        compiler_params=pltpu.CompilerParams(needs_layout_passes=False),
        scratch_types=[
            pltpu.VMEM((2, EB), jnp.int32),
            pltpu.VMEM((2, 128), jnp.int32),
            pltpu.VMEM((HPAD,), jnp.float32),
            pltpu.VMEM((SLICE,), jnp.float32),
            pltpu.VMEM((NS, SLICE), jnp.float32),
            pltpu.VMEM((EH,), jnp.float32),
            pltpu.VMEM((128,), jnp.float32),
            pltpu.SemaphoreType.DMA,
            pltpu.VMEM_SHARED((NS, HPAD), jnp.float32),
        ],
    )
    return run(edge_index).reshape(E, 1, 1)

# --- scband reference (transcript-rebuilt; emitter-appended) ---
"""Pipeline reference for scband-attention-12197707120686 (READ-ONLY COPY).

The authoritative reference and input builder live on the scoring server;
editing this copy changes nothing except your own understanding.
"""

import jax, jax.numpy as jnp
import numpy as np

N_NODES = 10000
N_EDGES = 320000
HEADS = 4
OUT_DIM = 32


def setup_inputs(seed: int = 0) -> dict:
    key = jax.random.key(seed)
    k1, k2, k3 = jax.random.split(key, 3)
    x_i = jax.random.normal(k1, (N_EDGES, HEADS, OUT_DIM), dtype=jnp.float32)
    x_j = jax.random.normal(k2, (N_EDGES, HEADS, OUT_DIM), dtype=jnp.float32)
    edge_index = jax.random.randint(k3, (2, N_EDGES), 0, N_NODES, dtype=jnp.int64 if jax.config.jax_enable_x64 else jnp.int32).astype(jnp.int32)
    return {"x_i": x_i, "x_j": x_j, "edge_index": edge_index, "num_nodes": N_NODES}


def reference(x_i, x_j, edge_index, num_nodes):
    # degree_weight: GCN symmetric normalization coefficient per edge
    edge_index_j = edge_index[0]  # source nodes
    edge_index_i = edge_index[1]  # target nodes
    # degree(edge_index_j): count of occurrences of each source node id
    deg = jnp.bincount(edge_index_j, length=N_NODES).astype(jnp.float32)
    deg_inv_sqrt = deg ** (-0.5)
    # replace inf (deg == 0) with 0
    deg_inv_sqrt = jnp.where(jnp.isinf(deg_inv_sqrt), 0.0, deg_inv_sqrt)
    attention_coefficient = deg_inv_sqrt[edge_index_j] * deg_inv_sqrt[edge_index_i]
    attention_coefficient = attention_coefficient + 0.0 * num_nodes
    attention_coefficient = attention_coefficient.reshape(-1, 1, 1)
    return attention_coefficient

if __name__ == "__main__":
    import jax
    _d = setup_inputs()
    print(jax.jit(kernel)(*tuple(_d.values())))

</pallas_src>

<mosaic_0001>
#map = affine_map<(d0, d1) -> (0, 0)>
#map1 = affine_map<(d0, d1) -> (0, 0, 0)>
module attributes {stable_mosaic.version = 14 : i64} {
  func.func @_body(%arg0: i32, %arg1: i32, %arg2: memref<2x320000xi32, #tpu.memory_space<hbm>>, %arg3: memref<1x1x320000xf32, #tpu.memory_space<hbm>>, %arg4: memref<2x19968xi32, #tpu.memory_space<vmem>>, %arg5: memref<2x128xi32, #tpu.memory_space<vmem>>, %arg6: memref<10240xf32, #tpu.memory_space<vmem>>, %arg7: memref<640xf32, #tpu.memory_space<vmem>>, %arg8: memref<16x640xf32, #tpu.memory_space<vmem>>, %arg9: memref<9984xf32, #tpu.memory_space<vmem>>, %arg10: memref<128xf32, #tpu.memory_space<vmem>>, %arg11: memref<!tpu.dma_semaphore, #tpu.memory_space<semaphore_mem>>, %arg12: memref<16x10240xf32, #tpu.memory_space<vmem_shared>>) attributes {dimension_semantics = [#tpu.dimension_semantics<core_parallel>, #tpu.dimension_semantics<subcore_parallel>], iteration_bounds = array<i64: 2, 16>, scalar_prefetch = 0 : i64, scratch_operands = 9 : i64, tpu.core_type = #tpu.core_type<sc_vector_subcore>, window_params = [{transform_indices = #map}, {transform_indices = #map1}]} {
    %mul3A = arith.constant 19968 : i32
    %mul3A_0 = arith.muli %arg1, %mul3A : i32
    %dma_start3A = arith.constant 0 : i32
    %dma_start3A_1 = tpu.memref_slice %arg2[%dma_start3A, %mul3A_0] : memref<2x320000xi32, #tpu.memory_space<hbm>> -> memref<2x19968xi32, #tpu.memory_space<hbm>>
    %dma_start3A_2 = arith.constant 0 : i32
    %dma_start3A_3 = tpu.memref_slice %arg2[%dma_start3A_2, %mul3A_0] : memref<2x320000xi32, #tpu.memory_space<hbm>> -> memref<2x19968xi32, #tpu.memory_space<hbm>>
    tpu.enqueue_dma source(%dma_start3A_3 : memref<2x19968xi32, #tpu.memory_space<hbm>>) target(%arg4 : memref<2x19968xi32, #tpu.memory_space<vmem>>) target_semaphore(%arg11 : memref<!tpu.dma_semaphore, #tpu.memory_space<semaphore_mem>>)
    %broadcast_in_dim3A = arith.constant 0.000000e+00 : f32
    %broadcast_in_dim3A_4 = vector.broadcast %broadcast_in_dim3A : f32 to vector<16xf32>
    %scan3A = arith.constant 0 : i32
    %scan3A_5 = arith.constant 0 : i32
    %scan3A_6 = arith.constant 160 : i32
    %scan3A_7 = arith.addi %scan3A_5, %scan3A_6 : i32
    %scan3A_8 = arith.constant 1 : i32
    scf.for %scan3A_54 = %scan3A_5 to %scan3A_7 step %scan3A_8  : i32 {
      %mul3A_55 = arith.constant 4 : i32
      %mul3A_56 = arith.muli %scan3A_54, %mul3A_55 : i32
      %mul3A_57 = arith.constant 16 : i32
      %mul3A_58 = arith.muli %mul3A_56, %mul3A_57 : i32
      %swap3A = arith.index_cast %mul3A_58 : i32 to index
      %swap3A_59 = tpu.vector_load %arg6[%swap3A] {strides = array<i32>} : memref<10240xf32, #tpu.memory_space<vmem>>, vector<16xf32>,
      tpu.vector_store %arg6[%swap3A], %broadcast_in_dim3A_4 {strides = array<i32>} : memref<10240xf32, #tpu.memory_space<vmem>>, vector<16xf32>,
      %mul3A_60 = arith.constant 4 : i32
      %mul3A_61 = arith.muli %scan3A_54, %mul3A_60 : i32
      %mul3A_62 = arith.constant 16 : i32
      %mul3A_63 = arith.muli %mul3A_61, %mul3A_62 : i32
      %add3A_64 = arith.constant 16 : i32
      %add3A_65 = arith.addi %mul3A_63, %add3A_64 : i32
      %swap3A_66 = arith.index_cast %add3A_65 : i32 to index
      %swap3A_67 = tpu.vector_load %arg6[%swap3A_66] {strides = array<i32>} : memref<10240xf32, #tpu.memory_space<vmem>>, vector<16xf32>,
      tpu.vector_store %arg6[%swap3A_66], %broadcast_in_dim3A_4 {strides = array<i32>} : memref<10240xf32, #tpu.memory_space<vmem>>, vector<16xf32>,
      %mul3A_68 = arith.constant 4 : i32
      %mul3A_69 = arith.muli %scan3A_54, %mul3A_68 : i32
      %mul3A_70 = arith.constant 16 : i32
      %mul3A_71 = arith.muli %mul3A_69, %mul3A_70 : i32
      %add3A_72 = arith.constant 32 : i32
      %add3A_73 = arith.addi %mul3A_71, %add3A_72 : i32
      %swap3A_74 = arith.index_cast %add3A_73 : i32 to index
      %swap3A_75 = tpu.vector_load %arg6[%swap3A_74] {strides = array<i32>} : memref<10240xf32, #tpu.memory_space<vmem>>, vector<16xf32>,
      tpu.vector_store %arg6[%swap3A_74], %broadcast_in_dim3A_4 {strides = array<i32>} : memref<10240xf32, #tpu.memory_space<vmem>>, vector<16xf32>,
      %mul3A_76 = arith.constant 4 : i32
      %mul3A_77 = arith.muli %scan3A_54, %mul3A_76 : i32
      %mul3A_78 = arith.constant 16 : i32
      %mul3A_79 = arith.muli %mul3A_77, %mul3A_78 : i32
      %add3A_80 = arith.constant 48 : i32
      %add3A_81 = arith.addi %mul3A_79, %add3A_80 : i32
      %swap3A_82 = arith.index_cast %add3A_81 : i32 to index
      %swap3A_83 = tpu.vector_load %arg6[%swap3A_82] {strides = array<i32>} : memref<10240xf32, #tpu.memory_space<vmem>>, vector<16xf32>,
      tpu.vector_store %arg6[%swap3A_82], %broadcast_in_dim3A_4 {strides = array<i32>} : memref<10240xf32, #tpu.memory_space<vmem>>, vector<16xf32>,
    }
    %scan3A_9 = arith.constant 160 : i32
    %dma_wait3A = arith.constant 0 : i32
    %dma_wait3A_10 = tpu.memref_slice %arg2[%dma_wait3A, %mul3A_0] : memref<2x320000xi32, #tpu.memory_space<hbm>> -> memref<2x19968xi32, #tpu.memory_space<hbm>>
    %dma_wait3A_11 = arith.constant 0 : i32
    %dma_wait3A_12 = tpu.memref_slice %arg2[%dma_wait3A_11, %mul3A_0] : memref<2x320000xi32, #tpu.memory_space<hbm>> -> memref<2x19968xi32, #tpu.memory_space<hbm>>
    tpu.wait_dma2 semaphore(%arg11 : memref<!tpu.dma_semaphore, #tpu.memory_space<semaphore_mem>>) src(%dma_wait3A_12 : memref<2x19968xi32, #tpu.memory_space<hbm>>) dst(%arg4 : memref<2x19968xi32, #tpu.memory_space<vmem>>)
    %lt3A = arith.constant 4 : i32
    %lt3A_13 = arith.cmpi slt, %arg1, %lt3A : i32
    %convert_element_type3A = arith.extui %lt3A_13 : i1 to i32
    %cond3A = arith.constant 0 : i32
    %cond3A_14 = arith.cmpi ne, %convert_element_type3A, %cond3A : i32
    scf.if %cond3A_14 {
      %mul3A_54 = arith.constant 128 : i32
      %mul3A_55 = arith.muli %arg1, %mul3A_54 : i32
      %add3A_56 = arith.constant 319488 : i32
      %add3A_57 = arith.addi %add3A_56, %mul3A_55 : i32
      "tpu.region"() ({
        %run_scoped3A_58 = tpu.sem_alloc : memref<!tpu.dma_semaphore, #tpu.memory_space<semaphore_mem>>
        %dma_start3A_59 = arith.constant 0 : i32
        %dma_start3A_60 = tpu.memref_slice %arg2[%dma_start3A_59, %add3A_57] : memref<2x320000xi32, #tpu.memory_space<hbm>> -> memref<2x128xi32, #tpu.memory_space<hbm>>
        %dma_start3A_61 = arith.constant 0 : i32
        %dma_start3A_62 = tpu.memref_slice %arg2[%dma_start3A_61, %add3A_57] : memref<2x320000xi32, #tpu.memory_space<hbm>> -> memref<2x128xi32, #tpu.memory_space<hbm>>
        tpu.enqueue_dma source(%dma_start3A_62 : memref<2x128xi32, #tpu.memory_space<hbm>>) target(%arg5 : memref<2x128xi32, #tpu.memory_space<vmem>>) target_semaphore(%run_scoped3A_58 : memref<!tpu.dma_semaphore, #tpu.memory_space<semaphore_mem>>)
        %dma_wait3A_63 = arith.constant 0 : i32
        %dma_wait3A_64 = tpu.memref_slice %arg2[%dma_wait3A_63, %add3A_57] : memref<2x320000xi32, #tpu.memory_space<hbm>> -> memref<2x128xi32, #tpu.memory_space<hbm>>
        %dma_wait3A_65 = arith.constant 0 : i32
        %dma_wait3A_66 = tpu.memref_slice %arg2[%dma_wait3A_65, %add3A_57] : memref<2x320000xi32, #tpu.memory_space<hbm>> -> memref<2x128xi32, #tpu.memory_space<hbm>>
        tpu.wait_dma2 semaphore(%run_scoped3A_58 : memref<!tpu.dma_semaphore, #tpu.memory_space<semaphore_mem>>) src(%dma_wait3A_66 : memref<2x128xi32, #tpu.memory_space<hbm>>) dst(%arg5 : memref<2x128xi32, #tpu.memory_space<vmem>>)
        tpu.yield
      }) : () -> ()
    } else {
    }
    %parallel_loop3A = arith.constant 0 : i32
    %parallel_loop3A_15 = arith.constant 1248 : i32
    %parallel_loop3A_16 = arith.constant 1 : i32
    scf.for %parallel_loop3A_54 = %parallel_loop3A to %parallel_loop3A_15 step %parallel_loop3A_16  : i32 {
      %parallel_loop3A_55 = arith.constant 16 : i32
      %parallel_loop3A_56 = arith.muli %parallel_loop3A_54, %parallel_loop3A_55 : i32
      %parallel_loop3A_57 = arith.constant 0 : i32
      %parallel_loop3A_58 = arith.index_cast %parallel_loop3A_57 : i32 to index
      %parallel_loop3A_59 = arith.index_cast %parallel_loop3A_56 : i32 to index
      %parallel_loop3A_60 = tpu.vector_load %arg4[%parallel_loop3A_58, %parallel_loop3A_59] {strides = array<i32>} : memref<2x19968xi32, #tpu.memory_space<vmem>>, vector<16xi32>,
      %parallel_loop3A_61 = arith.constant true
      %parallel_loop3A_62 = vector.broadcast %parallel_loop3A_61 : i1 to vector<16xi1>
      %parallel_loop3A_63, %parallel_loop3A_64 = tpu.scan_count mask(%parallel_loop3A_62 : vector<16xi1>) value(%parallel_loop3A_60 : vector<16xi32>) : vector<16xi1>, vector<16xi32>
      %parallel_loop3A_65 = arith.sitofp %parallel_loop3A_64 : vector<16xi32> to vector<16xf32>
      tpu.vector_store_idx %arg6[%parallel_loop3A_60], %parallel_loop3A_65 masked %parallel_loop3A_63 {add = true} : memref<10240xf32, #tpu.memory_space<vmem>>[vector<16xi32>], vector<16xf32>, vector<16xi1>
    } {sc.loop_unroll_factor = 8 : i64, sc.parallel_access}
    %lt3A_17 = arith.constant 4 : i32
    %lt3A_18 = arith.cmpi slt, %arg1, %lt3A_17 : i32
    %convert_element_type3A_19 = arith.extui %lt3A_18 : i1 to i32
    %cond3A_20 = arith.constant 0 : i32
    %cond3A_21 = arith.cmpi ne, %convert_element_type3A_19, %cond3A_20 : i32
    scf.if %cond3A_21 {
      %get3A = arith.constant 0 : i32
      %get3A_54 = arith.index_cast %get3A : i32 to index
      %get3A_55 = arith.constant 0 : index
      %get3A_56 = tpu.vector_load %arg5[%get3A_54, %get3A_55] {strides = array<i32>} : memref<2x128xi32, #tpu.memory_space<vmem>>, vector<16xi32>,
      %broadcast_in_dim3A_57 = arith.constant true
      %broadcast_in_dim3A_58 = vector.broadcast %broadcast_in_dim3A_57 : i1 to vector<16xi1>
      %unique3A, %unique3A_59 = tpu.scan_count mask(%broadcast_in_dim3A_58 : vector<16xi1>) value(%get3A_56 : vector<16xi32>) : vector<16xi1>, vector<16xi32>
      %convert_element_type3A_60 = arith.sitofp %unique3A_59 : vector<16xi32> to vector<16xf32>
      tpu.vector_store_idx %arg6[%get3A_56], %convert_element_type3A_60 masked %unique3A {add = true} : memref<10240xf32, #tpu.memory_space<vmem>>[vector<16xi32>], vector<16xf32>, vector<16xi1>
      %get3A_61 = arith.constant 0 : i32
      %get3A_62 = arith.index_cast %get3A_61 : i32 to index
      %get3A_63 = arith.constant 16 : index
      %get3A_64 = tpu.vector_load %arg5[%get3A_62, %get3A_63] {strides = array<i32>} : memref<2x128xi32, #tpu.memory_space<vmem>>, vector<16xi32>,
      %broadcast_in_dim3A_65 = arith.constant true
      %broadcast_in_dim3A_66 = vector.broadcast %broadcast_in_dim3A_65 : i1 to vector<16xi1>
      %unique3A_67, %unique3A_68 = tpu.scan_count mask(%broadcast_in_dim3A_66 : vector<16xi1>) value(%get3A_64 : vector<16xi32>) : vector<16xi1>, vector<16xi32>
      %convert_element_type3A_69 = arith.sitofp %unique3A_68 : vector<16xi32> to vector<16xf32>
      tpu.vector_store_idx %arg6[%get3A_64], %convert_element_type3A_69 masked %unique3A_67 {add = true} : memref<10240xf32, #tpu.memory_space<vmem>>[vector<16xi32>], vector<16xf32>, vector<16xi1>
      %get3A_70 = arith.constant 0 : i32
      %get3A_71 = arith.index_cast %get3A_70 : i32 to index
      %get3A_72 = arith.constant 32 : index
      %get3A_73 = tpu.vector_load %arg5[%get3A_71, %get3A_72] {strides = array<i32>} : memref<2x128xi32, #tpu.memory_space<vmem>>, vector<16xi32>,
      %broadcast_in_dim3A_74 = arith.constant true
      %broadcast_in_dim3A_75 = vector.broadcast %broadcast_in_dim3A_74 : i1 to vector<16xi1>
      %unique3A_76, %unique3A_77 = tpu.scan_count mask(%broadcast_in_dim3A_75 : vector<16xi1>) value(%get3A_73 : vector<16xi32>) : vector<16xi1>, vector<16xi32>
      %convert_element_type3A_78 = arith.sitofp %unique3A_77 : vector<16xi32> to vector<16xf32>
      tpu.vector_store_idx %arg6[%get3A_73], %convert_element_type3A_78 masked %unique3A_76 {add = true} : memref<10240xf32, #tpu.memory_space<vmem>>[vector<16xi32>], vector<16xf32>, vector<16xi1>
      %get3A_79 = arith.constant 0 : i32
      %get3A_80 = arith.index_cast %get3A_79 : i32 to index
      %get3A_81 = arith.constant 48 : index
      %get3A_82 = tpu.vector_load %arg5[%get3A_80, %get3A_81] {strides = array<i32>} : memref<2x128xi32, #tpu.memory_space<vmem>>, vector<16xi32>,
      %broadcast_in_dim3A_83 = arith.constant true
      %broadcast_in_dim3A_84 = vector.broadcast %broadcast_in_dim3A_83 : i1 to vector<16xi1>
      %unique3A_85, %unique3A_86 = tpu.scan_count mask(%broadcast_in_dim3A_84 : vector<16xi1>) value(%get3A_82 : vector<16xi32>) : vector<16xi1>, vector<16xi32>
      %convert_element_type3A_87 = arith.sitofp %unique3A_86 : vector<16xi32> to vector<16xf32>
      tpu.vector_store_idx %arg6[%get3A_82], %convert_element_type3A_87 masked %unique3A_85 {add = true} : memref<10240xf32, #tpu.memory_space<vmem>>[vector<16xi32>], vector<16xf32>, vector<16xi1>
      %get3A_88 = arith.constant 0 : i32
      %get3A_89 = arith.index_cast %get3A_88 : i32 to index
      %get3A_90 = arith.constant 64 : index
      %get3A_91 = tpu.vector_load %arg5[%get3A_89, %get3A_90] {strides = array<i32>} : memref<2x128xi32, #tpu.memory_space<vmem>>, vector<16xi32>,
      %broadcast_in_dim3A_92 = arith.constant true
      %broadcast_in_dim3A_93 = vector.broadcast %broadcast_in_dim3A_92 : i1 to vector<16xi1>
      %unique3A_94, %unique3A_95 = tpu.scan_count mask(%broadcast_in_dim3A_93 : vector<16xi1>) value(%get3A_91 : vector<16xi32>) : vector<16xi1>, vector<16xi32>
      %convert_element_type3A_96 = arith.sitofp %unique3A_95 : vector<16xi32> to vector<16xf32>
      tpu.vector_store_idx %arg6[%get3A_91], %convert_element_type3A_96 masked %unique3A_94 {add = true} : memref<10240xf32, #tpu.memory_space<vmem>>[vector<16xi32>], vector<16xf32>, vector<16xi1>
      %get3A_97 = arith.constant 0 : i32
      %get3A_98 = arith.index_cast %get3A_97 : i32 to index
      %get3A_99 = arith.constant 80 : index
      %get3A_100 = tpu.vector_load %arg5[%get3A_98, %get3A_99] {strides = array<i32>} : memref<2x128xi32, #tpu.memory_space<vmem>>, vector<16xi32>,
      %broadcast_in_dim3A_101 = arith.constant true
      %broadcast_in_dim3A_102 = vector.broadcast %broadcast_in_dim3A_101 : i1 to vector<16xi1>
      %unique3A_103, %unique3A_104 = tpu.scan_count mask(%broadcast_in_dim3A_102 : vector<16xi1>) value(%get3A_100 : vector<16xi32>) : vector<16xi1>, vector<16xi32>
      %convert_element_type3A_105 = arith.sitofp %unique3A_104 : vector<16xi32> to vector<16xf32>
      tpu.vector_store_idx %arg6[%get3A_100], %convert_element_type3A_105 masked %unique3A_103 {add = true} : memref<10240xf32, #tpu.memory_space<vmem>>[vector<16xi32>], vector<16xf32>, vector<16xi1>
      %get3A_106 = arith.constant 0 : i32
      %get3A_107 = arith.index_cast %get3A_106 : i32 to index
      %get3A_108 = arith.constant 96 : index
      %get3A_109 = tpu.vector_load %arg5[%get3A_107, %get3A_108] {strides = array<i32>} : memref<2x128xi32, #tpu.memory_space<vmem>>, vector<16xi32>,
      %broadcast_in_dim3A_110 = arith.constant true
      %broadcast_in_dim3A_111 = vector.broadcast %broadcast_in_dim3A_110 : i1 to vector<16xi1>
      %unique3A_112, %unique3A_113 = tpu.scan_count mask(%broadcast_in_dim3A_111 : vector<16xi1>) value(%get3A_109 : vector<16xi32>) : vector<16xi1>, vector<16xi32>
      %convert_element_type3A_114 = arith.sitofp %unique3A_113 : vector<16xi32> to vector<16xf32>
      tpu.vector_store_idx %arg6[%get3A_109], %convert_element_type3A_114 masked %unique3A_112 {add = true} : memref<10240xf32, #tpu.memory_space<vmem>>[vector<16xi32>], vector<16xf32>, vector<16xi1>
      %get3A_115 = arith.constant 0 : i32
      %get3A_116 = arith.index_cast %get3A_115 : i32 to index
      %get3A_117 = arith.constant 112 : index
      %get3A_118 = tpu.vector_load %arg5[%get3A_116, %get3A_117] {strides = array<i32>} : memref<2x128xi32, #tpu.memory_space<vmem>>, vector<16xi32>,
      %broadcast_in_dim3A_119 = arith.constant true
      %broadcast_in_dim3A_120 = vector.broadcast %broadcast_in_dim3A_119 : i1 to vector<16xi1>
      %unique3A_121, %unique3A_122 = tpu.scan_count mask(%broadcast_in_dim3A_120 : vector<16xi1>) value(%get3A_118 : vector<16xi32>) : vector<16xi1>, vector<16xi32>
      %convert_element_type3A_123 = arith.sitofp %unique3A_122 : vector<16xi32> to vector<16xf32>
      tpu.vector_store_idx %arg6[%get3A_118], %convert_element_type3A_123 masked %unique3A_121 {add = true} : memref<10240xf32, #tpu.memory_space<vmem>>[vector<16xi32>], vector<16xf32>, vector<16xi1>
    } else {
    }
    "tpu.region"() ({
      %run_scoped3A_54 = tpu.sem_alloc : memref<!tpu.dma_semaphore, #tpu.memory_space<semaphore_mem>>
      %dma_start3A_55 = arith.constant 0 : i32
      %dma_start3A_56 = tpu.memref_slice %arg12[%arg1, %dma_start3A_55] : memref<16x10240xf32, #tpu.memory_space<vmem_shared>> -> memref<1x10240xf32, #tpu.memory_space<vmem_shared>>
      %dma_start3A_57 = tpu.memref_squeeze %dma_start3A_56 : memref<1x10240xf32, #tpu.memory_space<vmem_shared>> -> memref<10240xf32, #tpu.memory_space<vmem_shared>>
      %dma_start3A_58 = arith.constant 0 : i32
      %dma_start3A_59 = tpu.memref_slice %arg12[%arg1, %dma_start3A_58] : memref<16x10240xf32, #tpu.memory_space<vmem_shared>> -> memref<1x10240xf32, #tpu.memory_space<vmem_shared>>
      %dma_start3A_60 = tpu.memref_squeeze %dma_start3A_59 : memref<1x10240xf32, #tpu.memory_space<vmem_shared>> -> memref<10240xf32, #tpu.memory_space<vmem_shared>>
      tpu.enqueue_dma source(%arg6 : memref<10240xf32, #tpu.memory_space<vmem>>) target(%dma_start3A_60 : memref<10240xf32, #tpu.memory_space<vmem_shared>>) target_semaphore(%run_scoped3A_54 : memref<!tpu.dma_semaphore, #tpu.memory_space<semaphore_mem>>)
      %dma_wait3A_61 = arith.constant 0 : i32
      %dma_wait3A_62 = tpu.memref_slice %arg12[%arg1, %dma_wait3A_61] : memref<16x10240xf32, #tpu.memory_space<vmem_shared>> -> memref<1x10240xf32, #tpu.memory_space<vmem_shared>>
      %dma_wait3A_63 = tpu.memref_squeeze %dma_wait3A_62 : memref<1x10240xf32, #tpu.memory_space<vmem_shared>> -> memref<10240xf32, #tpu.memory_space<vmem_shared>>
      %dma_wait3A_64 = arith.constant 0 : i32
      %dma_wait3A_65 = tpu.memref_slice %arg12[%arg1, %dma_wait3A_64] : memref<16x10240xf32, #tpu.memory_space<vmem_shared>> -> memref<1x10240xf32, #tpu.memory_space<vmem_shared>>
      %dma_wait3A_66 = tpu.memref_squeeze %dma_wait3A_65 : memref<1x10240xf32, #tpu.memory_space<vmem_shared>> -> memref<10240xf32, #tpu.memory_space<vmem_shared>>
      tpu.wait_dma2 semaphore(%run_scoped3A_54 : memref<!tpu.dma_semaphore, #tpu.memory_space<semaphore_mem>>) src(%arg6 : memref<10240xf32, #tpu.memory_space<vmem>>) dst(%dma_wait3A_66 : memref<10240xf32, #tpu.memory_space<vmem_shared>>)
      tpu.yield
    }) : () -> ()
    %barrier3A = arith.constant 0 : index
    tpu.barrier barrier_id(%barrier3A)
    %mul3A_22 = arith.constant 640 : i32
    %mul3A_23 = arith.muli %arg1, %mul3A_22 : i32
    "tpu.region"() ({
      %run_scoped3A_54 = tpu.sem_alloc : memref<!tpu.dma_semaphore, #tpu.memory_space<semaphore_mem>>
      %dma_start3A_55 = arith.constant 0 : i32
      %dma_start3A_56 = tpu.memref_slice %arg12[%dma_start3A_55, %mul3A_23] : memref<16x10240xf32, #tpu.memory_space<vmem_shared>> -> memref<16x640xf32, #tpu.memory_space<vmem_shared>>
      %dma_start3A_57 = arith.constant 0 : i32
      %dma_start3A_58 = tpu.memref_slice %arg12[%dma_start3A_57, %mul3A_23] : memref<16x10240xf32, #tpu.memory_space<vmem_shared>> -> memref<16x640xf32, #tpu.memory_space<vmem_shared>>
      tpu.enqueue_dma source(%dma_start3A_58 : memref<16x640xf32, #tpu.memory_space<vmem_shared>>) target(%arg8 : memref<16x640xf32, #tpu.memory_space<vmem>>) target_semaphore(%run_scoped3A_54 : memref<!tpu.dma_semaphore, #tpu.memory_space<semaphore_mem>>)
      %dma_wait3A_59 = arith.constant 0 : i32
      %dma_wait3A_60 = tpu.memref_slice %arg12[%dma_wait3A_59, %mul3A_23] : memref<16x10240xf32, #tpu.memory_space<vmem_shared>> -> memref<16x640xf32, #tpu.memory_space<vmem_shared>>
      %dma_wait3A_61 = arith.constant 0 : i32
      %dma_wait3A_62 = tpu.memref_slice %arg12[%dma_wait3A_61, %mul3A_23] : memref<16x10240xf32, #tpu.memory_space<vmem_shared>> -> memref<16x640xf32, #tpu.memory_space<vmem_shared>>
      tpu.wait_dma2 semaphore(%run_scoped3A_54 : memref<!tpu.dma_semaphore, #tpu.memory_space<semaphore_mem>>) src(%dma_wait3A_62 : memref<16x640xf32, #tpu.memory_space<vmem_shared>>) dst(%arg8 : memref<16x640xf32, #tpu.memory_space<vmem>>)
      tpu.yield
    }) : () -> ()
    %parallel_loop3A_24 = arith.constant 0 : i32
    %parallel_loop3A_25 = arith.constant 40 : i32
    %parallel_loop3A_26 = arith.constant 1 : i32
    scf.for %parallel_loop3A_54 = %parallel_loop3A_24 to %parallel_loop3A_25 step %parallel_loop3A_26  : i32 {
      %parallel_loop3A_55 = arith.constant 16 : i32
      %parallel_loop3A_56 = arith.muli %parallel_loop3A_54, %parallel_loop3A_55 : i32
      %parallel_loop3A_57 = arith.constant 0 : i32
      %parallel_loop3A_58 = arith.index_cast %parallel_loop3A_57 : i32 to index
      %parallel_loop3A_59 = arith.index_cast %parallel_loop3A_56 : i32 to index
      %parallel_loop3A_60 = tpu.vector_load %arg8[%parallel_loop3A_58, %parallel_loop3A_59] {strides = array<i32>} : memref<16x640xf32, #tpu.memory_space<vmem>>, vector<16xf32>,
      %parallel_loop3A_61 = arith.constant 16 : i32
      %parallel_loop3A_62 = arith.muli %parallel_loop3A_54, %parallel_loop3A_61 : i32
      %parallel_loop3A_63 = arith.constant 1 : i32
      %parallel_loop3A_64 = arith.index_cast %parallel_loop3A_63 : i32 to index
      %parallel_loop3A_65 = arith.index_cast %parallel_loop3A_62 : i32 to index
      %parallel_loop3A_66 = tpu.vector_load %arg8[%parallel_loop3A_64, %parallel_loop3A_65] {strides = array<i32>} : memref<16x640xf32, #tpu.memory_space<vmem>>, vector<16xf32>,
      %parallel_loop3A_67 = arith.addf %parallel_loop3A_60, %parallel_loop3A_66 : vector<16xf32>
      %parallel_loop3A_68 = arith.constant 16 : i32
      %parallel_loop3A_69 = arith.muli %parallel_loop3A_54, %parallel_loop3A_68 : i32
      %parallel_loop3A_70 = arith.constant 2 : i32
      %parallel_loop3A_71 = arith.index_cast %parallel_loop3A_70 : i32 to index
      %parallel_loop3A_72 = arith.index_cast %parallel_loop3A_69 : i32 to index
      %parallel_loop3A_73 = tpu.vector_load %arg8[%parallel_loop3A_71, %parallel_loop3A_72] {strides = array<i32>} : memref<16x640xf32, #tpu.memory_space<vmem>>, vector<16xf32>,
      %parallel_loop3A_74 = arith.addf %parallel_loop3A_67, %parallel_loop3A_73 : vector<16xf32>
      %parallel_loop3A_75 = arith.constant 16 : i32
      %parallel_loop3A_76 = arith.muli %parallel_loop3A_54, %parallel_loop3A_75 : i32
      %parallel_loop3A_77 = arith.constant 3 : i32
      %parallel_loop3A_78 = arith.index_cast %parallel_loop3A_77 : i32 to index
      %parallel_loop3A_79 = arith.index_cast %parallel_loop3A_76 : i32 to index
      %parallel_loop3A_80 = tpu.vector_load %arg8[%parallel_loop3A_78, %parallel_loop3A_79] {strides = array<i32>} : memref<16x640xf32, #tpu.memory_space<vmem>>, vector<16xf32>,
      %parallel_loop3A_81 = arith.addf %parallel_loop3A_74, %parallel_loop3A_80 : vector<16xf32>
      %parallel_loop3A_82 = arith.constant 16 : i32
      %parallel_loop3A_83 = arith.muli %parallel_loop3A_54, %parallel_loop3A_82 : i32
      %parallel_loop3A_84 = arith.constant 4 : i32
      %parallel_loop3A_85 = arith.index_cast %parallel_loop3A_84 : i32 to index
      %parallel_loop3A_86 = arith.index_cast %parallel_loop3A_83 : i32 to index
      %parallel_loop3A_87 = tpu.vector_load %arg8[%parallel_loop3A_85, %parallel_loop3A_86] {strides = array<i32>} : memref<16x640xf32, #tpu.memory_space<vmem>>, vector<16xf32>,
      %parallel_loop3A_88 = arith.addf %parallel_loop3A_81, %parallel_loop3A_87 : vector<16xf32>
      %parallel_loop3A_89 = arith.constant 16 : i32
      %parallel_loop3A_90 = arith.muli %parallel_loop3A_54, %parallel_loop3A_89 : i32
      %parallel_loop3A_91 = arith.constant 5 : i32
      %parallel_loop3A_92 = arith.index_cast %parallel_loop3A_91 : i32 to index
      %parallel_loop3A_93 = arith.index_cast %parallel_loop3A_90 : i32 to index
      %parallel_loop3A_94 = tpu.vector_load %arg8[%parallel_loop3A_92, %parallel_loop3A_93] {strides = array<i32>} : memref<16x640xf32, #tpu.memory_space<vmem>>, vector<16xf32>,
      %parallel_loop3A_95 = arith.addf %parallel_loop3A_88, %parallel_loop3A_94 : vector<16xf32>
      %parallel_loop3A_96 = arith.constant 16 : i32
      %parallel_loop3A_97 = arith.muli %parallel_loop3A_54, %parallel_loop3A_96 : i32
      %parallel_loop3A_98 = arith.constant 6 : i32
      %parallel_loop3A_99 = arith.index_cast %parallel_loop3A_98 : i32 to index
      %parallel_loop3A_100 = arith.index_cast %parallel_loop3A_97 : i32 to index
      %parallel_loop3A_101 = tpu.vector_load %arg8[%parallel_loop3A_99, %parallel_loop3A_100] {strides = array<i32>} : memref<16x640xf32, #tpu.memory_space<vmem>>, vector<16xf32>,
      %parallel_loop3A_102 = arith.addf %parallel_loop3A_95, %parallel_loop3A_101 : vector<16xf32>
      %parallel_loop3A_103 = arith.constant 16 : i32
      %parallel_loop3A_104 = arith.muli %parallel_loop3A_54, %parallel_loop3A_103 : i32
      %parallel_loop3A_105 = arith.constant 7 : i32
      %parallel_loop3A_106 = arith.index_cast %parallel_loop3A_105 : i32 to index
      %parallel_loop3A_107 = arith.index_cast %parallel_loop3A_104 : i32 to index
      %parallel_loop3A_108 = tpu.vector_load %arg8[%parallel_loop3A_106, %parallel_loop3A_107] {strides = array<i32>} : memref<16x640xf32, #tpu.memory_space<vmem>>, vector<16xf32>,
      %parallel_loop3A_109 = arith.addf %parallel_loop3A_102, %parallel_loop3A_108 : vector<16xf32>
      %parallel_loop3A_110 = arith.constant 16 : i32
      %parallel_loop3A_111 = arith.muli %parallel_loop3A_54, %parallel_loop3A_110 : i32
      %parallel_loop3A_112 = arith.constant 8 : i32
      %parallel_loop3A_113 = arith.index_cast %parallel_loop3A_112 : i32 to index
      %parallel_loop3A_114 = arith.index_cast %parallel_loop3A_111 : i32 to index
      %parallel_loop3A_115 = tpu.vector_load %arg8[%parallel_loop3A_113, %parallel_loop3A_114] {strides = array<i32>} : memref<16x640xf32, #tpu.memory_space<vmem>>, vector<16xf32>,
      %parallel_loop3A_116 = arith.addf %parallel_loop3A_109, %parallel_loop3A_115 : vector<16xf32>
      %parallel_loop3A_117 = arith.constant 16 : i32
      %parallel_loop3A_118 = arith.muli %parallel_loop3A_54, %parallel_loop3A_117 : i32
      %parallel_loop3A_119 = arith.constant 9 : i32
      %parallel_loop3A_120 = arith.index_cast %parallel_loop3A_119 : i32 to index
      %parallel_loop3A_121 = arith.index_cast %parallel_loop3A_118 : i32 to index
      %parallel_loop3A_122 = tpu.vector_load %arg8[%parallel_loop3A_120, %parallel_loop3A_121] {strides = array<i32>} : memref<16x640xf32, #tpu.memory_space<vmem>>, vector<16xf32>,
      %parallel_loop3A_123 = arith.addf %parallel_loop3A_116, %parallel_loop3A_122 : vector<16xf32>
      %parallel_loop3A_124 = arith.constant 16 : i32
      %parallel_loop3A_125 = arith.muli %parallel_loop3A_54, %parallel_loop3A_124 : i32
      %parallel_loop3A_126 = arith.constant 10 : i32
      %parallel_loop3A_127 = arith.index_cast %parallel_loop3A_126 : i32 to index
      %parallel_loop3A_128 = arith.index_cast %parallel_loop3A_125 : i32 to index
      %parallel_loop3A_129 = tpu.vector_load %arg8[%parallel_loop3A_127, %parallel_loop3A_128] {strides = array<i32>} : memref<16x640xf32, #tpu.memory_space<vmem>>, vector<16xf32>,
      %parallel_loop3A_130 = arith.addf %parallel_loop3A_123, %parallel_loop3A_129 : vector<16xf32>
      %parallel_loop3A_131 = arith.constant 16 : i32
      %parallel_loop3A_132 = arith.muli %parallel_loop3A_54, %parallel_loop3A_131 : i32
      %parallel_loop3A_133 = arith.constant 11 : i32
      %parallel_loop3A_134 = arith.index_cast %parallel_loop3A_133 : i32 to index
      %parallel_loop3A_135 = arith.index_cast %parallel_loop3A_132 : i32 to index
      %parallel_loop3A_136 = tpu.vector_load %arg8[%parallel_loop3A_134, %parallel_loop3A_135] {strides = array<i32>} : memref<16x640xf32, #tpu.memory_space<vmem>>, vector<16xf32>,
      %parallel_loop3A_137 = arith.addf %parallel_loop3A_130, %parallel_loop3A_136 : vector<16xf32>
      %parallel_loop3A_138 = arith.constant 16 : i32
      %parallel_loop3A_139 = arith.muli %parallel_loop3A_54, %parallel_loop3A_138 : i32
      %parallel_loop3A_140 = arith.constant 12 : i32
      %parallel_loop3A_141 = arith.index_cast %parallel_loop3A_140 : i32 to index
      %parallel_loop3A_142 = arith.index_cast %parallel_loop3A_139 : i32 to index
      %parallel_loop3A_143 = tpu.vector_load %arg8[%parallel_loop3A_141, %parallel_loop3A_142] {strides = array<i32>} : memref<16x640xf32, #tpu.memory_space<vmem>>, vector<16xf32>,
      %parallel_loop3A_144 = arith.addf %parallel_loop3A_137, %parallel_loop3A_143 : vector<16xf32>
      %parallel_loop3A_145 = arith.constant 16 : i32
      %parallel_loop3A_146 = arith.muli %parallel_loop3A_54, %parallel_loop3A_145 : i32
      %parallel_loop3A_147 = arith.constant 13 : i32
      %parallel_loop3A_148 = arith.index_cast %parallel_loop3A_147 : i32 to index
      %parallel_loop3A_149 = arith.index_cast %parallel_loop3A_146 : i32 to index
      %parallel_loop3A_150 = tpu.vector_load %arg8[%parallel_loop3A_148, %parallel_loop3A_149] {strides = array<i32>} : memref<16x640xf32, #tpu.memory_space<vmem>>, vector<16xf32>,
      %parallel_loop3A_151 = arith.addf %parallel_loop3A_144, %parallel_loop3A_150 : vector<16xf32>
      %parallel_loop3A_152 = arith.constant 16 : i32
      %parallel_loop3A_153 = arith.muli %parallel_loop3A_54, %parallel_loop3A_152 : i32
      %parallel_loop3A_154 = arith.constant 14 : i32
      %parallel_loop3A_155 = arith.index_cast %parallel_loop3A_154 : i32 to index
      %parallel_loop3A_156 = arith.index_cast %parallel_loop3A_153 : i32 to index
      %parallel_loop3A_157 = tpu.vector_load %arg8[%parallel_loop3A_155, %parallel_loop3A_156] {strides = array<i32>} : memref<16x640xf32, #tpu.memory_space<vmem>>, vector<16xf32>,
      %parallel_loop3A_158 = arith.addf %parallel_loop3A_151, %parallel_loop3A_157 : vector<16xf32>
      %parallel_loop3A_159 = arith.constant 16 : i32
      %parallel_loop3A_160 = arith.muli %parallel_loop3A_54, %parallel_loop3A_159 : i32
      %parallel_loop3A_161 = arith.constant 15 : i32
      %parallel_loop3A_162 = arith.index_cast %parallel_loop3A_161 : i32 to index
      %parallel_loop3A_163 = arith.index_cast %parallel_loop3A_160 : i32 to index
      %parallel_loop3A_164 = tpu.vector_load %arg8[%parallel_loop3A_162, %parallel_loop3A_163] {strides = array<i32>} : memref<16x640xf32, #tpu.memory_space<vmem>>, vector<16xf32>,
      %parallel_loop3A_165 = arith.addf %parallel_loop3A_158, %parallel_loop3A_164 : vector<16xf32>
      %parallel_loop3A_166 = arith.constant 16 : i32
      %parallel_loop3A_167 = arith.muli %parallel_loop3A_54, %parallel_loop3A_166 : i32
      %parallel_loop3A_168 = arith.index_cast %parallel_loop3A_167 : i32 to index
      %parallel_loop3A_169 = tpu.vector_load %arg7[%parallel_loop3A_168] {strides = array<i32>} : memref<640xf32, #tpu.memory_space<vmem>>, vector<16xf32>,
      tpu.vector_store %arg7[%parallel_loop3A_168], %parallel_loop3A_165 {strides = array<i32>} : memref<640xf32, #tpu.memory_space<vmem>>, vector<16xf32>,
    } {sc.loop_unroll_factor = 4 : i64, sc.parallel_access}
    %scan3A_27 = arith.constant 0 : i32
    %scan3A_28 = arith.constant 0 : i32
    %scan3A_29 = arith.constant 40 : i32
    %scan3A_30 = arith.addi %scan3A_28, %scan3A_29 : i32
    %scan3A_31 = arith.constant 1 : i32
    scf.for %scan3A_54 = %scan3A_28 to %scan3A_30 step %scan3A_31  : i32 {
      %mul3A_55 = arith.constant 16 : i32
      %mul3A_56 = arith.muli %scan3A_54, %mul3A_55 : i32
      %get3A = arith.index_cast %mul3A_56 : i32 to index
      %get3A_57 = tpu.vector_load %arg7[%get3A] {strides = array<i32>} : memref<640xf32, #tpu.memory_space<vmem>>, vector<16xf32>,
      %max3A = arith.constant 1.000000e+00 : f32
      %max3A_58 = vector.broadcast %max3A : f32 to vector<16xf32>
      %max3A_59 = arith.maximumf %get3A_57, %max3A_58 : vector<16xf32>
      %bitcast_convert_type3A = tpu.bitcast %max3A_59 : vector<16xf32> -> vector<16xi32>
      %shift_right_arithmetic3A = arith.constant 1 : i32
      %shift_right_arithmetic3A_60 = vector.broadcast %shift_right_arithmetic3A : i32 to vector<16xi32>
      %shift_right_arithmetic3A_61 = arith.shrsi %bitcast_convert_type3A, %shift_right_arithmetic3A_60 : vector<16xi32>
      %sub3A = arith.constant 1597463007 : i32
      %sub3A_62 = vector.broadcast %sub3A : i32 to vector<16xi32>
      %sub3A_63 = arith.subi %sub3A_62, %shift_right_arithmetic3A_61 : vector<16xi32>
      %bitcast_convert_type3A_64 = tpu.bitcast %sub3A_63 : vector<16xi32> -> vector<16xf32>
      %mul3A_65 = arith.constant 5.000000e-01 : f32
      %mul3A_66 = vector.broadcast %mul3A_65 : f32 to vector<16xf32>
      %mul3A_67 = arith.mulf %mul3A_66, %max3A_59 : vector<16xf32>
      %mul3A_68 = arith.mulf %mul3A_67, %bitcast_convert_type3A_64 : vector<16xf32>
      %mul3A_69 = arith.mulf %mul3A_68, %bitcast_convert_type3A_64 : vector<16xf32>
      %sub3A_70 = arith.constant 1.500000e+00 : f32
      %sub3A_71 = vector.broadcast %sub3A_70 : f32 to vector<16xf32>
      %sub3A_72 = arith.subf %sub3A_71, %mul3A_69 : vector<16xf32>
      %mul3A_73 = arith.mulf %bitcast_convert_type3A_64, %sub3A_72 : vector<16xf32>
      %mul3A_74 = arith.constant 5.000000e-01 : f32
      %mul3A_75 = vector.broadcast %mul3A_74 : f32 to vector<16xf32>
      %mul3A_76 = arith.mulf %mul3A_75, %max3A_59 : vector<16xf32>
      %mul3A_77 = arith.mulf %mul3A_76, %mul3A_73 : vector<16xf32>
      %mul3A_78 = arith.mulf %mul3A_77, %mul3A_73 : vector<16xf32>
      %sub3A_79 = arith.constant 1.500000e+00 : f32
      %sub3A_80 = vector.broadcast %sub3A_79 : f32 to vector<16xf32>
      %sub3A_81 = arith.subf %sub3A_80, %mul3A_78 : vector<16xf32>
      %mul3A_82 = arith.mulf %mul3A_73, %sub3A_81 : vector<16xf32>
      %mul3A_83 = arith.constant 5.000000e-01 : f32
      %mul3A_84 = vector.broadcast %mul3A_83 : f32 to vector<16xf32>
      %mul3A_85 = arith.mulf %mul3A_84, %max3A_59 : vector<16xf32>
      %mul3A_86 = arith.mulf %mul3A_85, %mul3A_82 : vector<16xf32>
      %mul3A_87 = arith.mulf %mul3A_86, %mul3A_82 : vector<16xf32>
      %sub3A_88 = arith.constant 1.500000e+00 : f32
      %sub3A_89 = vector.broadcast %sub3A_88 : f32 to vector<16xf32>
      %sub3A_90 = arith.subf %sub3A_89, %mul3A_87 : vector<16xf32>
      %mul3A_91 = arith.mulf %mul3A_82, %sub3A_90 : vector<16xf32>
      %gt3A = arith.constant 5.000000e-01 : f32
      %gt3A_92 = vector.broadcast %gt3A : f32 to vector<16xf32>
      %gt3A_93 = arith.cmpf ogt, %get3A_57, %gt3A_92 : vector<16xf32>
      %jit3A = arith.constant 0.000000e+00 : f32
      %broadcast_in_dim3A_94 = vector.broadcast %jit3A : f32 to vector<16xf32>
      %select_n3A = arith.select %gt3A_93, %mul3A_91, %broadcast_in_dim3A_94 : vector<16xi1>, vector<16xf32>
      %mul3A_95 = arith.constant 16 : i32
      %mul3A_96 = arith.muli %scan3A_54, %mul3A_95 : i32
      %swap3A = arith.index_cast %mul3A_96 : i32 to index
      %swap3A_97 = tpu.vector_load %arg7[%swap3A] {strides = array<i32>} : memref<640xf32, #tpu.memory_space<vmem>>, vector<16xf32>,
      tpu.vector_store %arg7[%swap3A], %select_n3A {strides = array<i32>} : memref<640xf32, #tpu.memory_space<vmem>>, vector<16xf32>,
    }
    %scan3A_32 = arith.constant 40 : i32
    %mul3A_33 = arith.constant 640 : i32
    %mul3A_34 = arith.muli %arg1, %mul3A_33 : i32
    %run_scoped3A = arith.constant 0 : i32
    "tpu.region"() ({
      %run_scoped3A_54 = tpu.sem_alloc : memref<!tpu.dma_semaphore, #tpu.memory_space<semaphore_mem>>
      %dma_start3A_55 = tpu.memref_slice %arg12[%run_scoped3A, %mul3A_34] : memref<16x10240xf32, #tpu.memory_space<vmem_shared>> -> memref<1x640xf32, #tpu.memory_space<vmem_shared>>
      %dma_start3A_56 = tpu.memref_squeeze %dma_start3A_55 : memref<1x640xf32, #tpu.memory_space<vmem_shared>> -> memref<640xf32, #tpu.memory_space<vmem_shared>>
      %dma_start3A_57 = tpu.memref_slice %arg12[%run_scoped3A, %mul3A_34] : memref<16x10240xf32, #tpu.memory_space<vmem_shared>> -> memref<1x640xf32, #tpu.memory_space<vmem_shared>>
      %dma_start3A_58 = tpu.memref_squeeze %dma_start3A_57 : memref<1x640xf32, #tpu.memory_space<vmem_shared>> -> memref<640xf32, #tpu.memory_space<vmem_shared>>
      tpu.enqueue_dma source(%arg7 : memref<640xf32, #tpu.memory_space<vmem>>) target(%dma_start3A_58 : memref<640xf32, #tpu.memory_space<vmem_shared>>) target_semaphore(%run_scoped3A_54 : memref<!tpu.dma_semaphore, #tpu.memory_space<semaphore_mem>>)
      %dma_wait3A_59 = tpu.memref_slice %arg12[%run_scoped3A, %mul3A_34] : memref<16x10240xf32, #tpu.memory_space<vmem_shared>> -> memref<1x640xf32, #tpu.memory_space<vmem_shared>>
      %dma_wait3A_60 = tpu.memref_squeeze %dma_wait3A_59 : memref<1x640xf32, #tpu.memory_space<vmem_shared>> -> memref<640xf32, #tpu.memory_space<vmem_shared>>
      %dma_wait3A_61 = tpu.memref_slice %arg12[%run_scoped3A, %mul3A_34] : memref<16x10240xf32, #tpu.memory_space<vmem_shared>> -> memref<1x640xf32, #tpu.memory_space<vmem_shared>>
      %dma_wait3A_62 = tpu.memref_squeeze %dma_wait3A_61 : memref<1x640xf32, #tpu.memory_space<vmem_shared>> -> memref<640xf32, #tpu.memory_space<vmem_shared>>
      tpu.wait_dma2 semaphore(%run_scoped3A_54 : memref<!tpu.dma_semaphore, #tpu.memory_space<semaphore_mem>>) src(%arg7 : memref<640xf32, #tpu.memory_space<vmem>>) dst(%dma_wait3A_62 : memref<640xf32, #tpu.memory_space<vmem_shared>>)
      tpu.yield
    }) : () -> ()
    %barrier3A_35 = arith.constant 0 : index
    tpu.barrier barrier_id(%barrier3A_35)
    %run_scoped3A_36 = arith.constant 0 : i32
    "tpu.region"() ({
      %run_scoped3A_54 = tpu.sem_alloc : memref<!tpu.dma_semaphore, #tpu.memory_space<semaphore_mem>>
      %dma_start3A_55 = arith.constant 0 : i32
      %dma_start3A_56 = tpu.memref_slice %arg12[%run_scoped3A_36, %dma_start3A_55] : memref<16x10240xf32, #tpu.memory_space<vmem_shared>> -> memref<1x10240xf32, #tpu.memory_space<vmem_shared>>
      %dma_start3A_57 = tpu.memref_squeeze %dma_start3A_56 : memref<1x10240xf32, #tpu.memory_space<vmem_shared>> -> memref<10240xf32, #tpu.memory_space<vmem_shared>>
      %dma_start3A_58 = arith.constant 0 : i32
      %dma_start3A_59 = tpu.memref_slice %arg12[%run_scoped3A_36, %dma_start3A_58] : memref<16x10240xf32, #tpu.memory_space<vmem_shared>> -> memref<1x10240xf32, #tpu.memory_space<vmem_shared>>
      %dma_start3A_60 = tpu.memref_squeeze %dma_start3A_59 : memref<1x10240xf32, #tpu.memory_space<vmem_shared>> -> memref<10240xf32, #tpu.memory_space<vmem_shared>>
      tpu.enqueue_dma source(%dma_start3A_60 : memref<10240xf32, #tpu.memory_space<vmem_shared>>) target(%arg6 : memref<10240xf32, #tpu.memory_space<vmem>>) target_semaphore(%run_scoped3A_54 : memref<!tpu.dma_semaphore, #tpu.memory_space<semaphore_mem>>)
      %dma_wait3A_61 = arith.constant 0 : i32
      %dma_wait3A_62 = tpu.memref_slice %arg12[%run_scoped3A_36, %dma_wait3A_61] : memref<16x10240xf32, #tpu.memory_space<vmem_shared>> -> memref<1x10240xf32, #tpu.memory_space<vmem_shared>>
      %dma_wait3A_63 = tpu.memref_squeeze %dma_wait3A_62 : memref<1x10240xf32, #tpu.memory_space<vmem_shared>> -> memref<10240xf32, #tpu.memory_space<vmem_shared>>
      %dma_wait3A_64 = arith.constant 0 : i32
      %dma_wait3A_65 = tpu.memref_slice %arg12[%run_scoped3A_36, %dma_wait3A_64] : memref<16x10240xf32, #tpu.memory_space<vmem_shared>> -> memref<1x10240xf32, #tpu.memory_space<vmem_shared>>
      %dma_wait3A_66 = tpu.memref_squeeze %dma_wait3A_65 : memref<1x10240xf32, #tpu.memory_space<vmem_shared>> -> memref<10240xf32, #tpu.memory_space<vmem_shared>>
      tpu.wait_dma2 semaphore(%run_scoped3A_54 : memref<!tpu.dma_semaphore, #tpu.memory_space<semaphore_mem>>) src(%dma_wait3A_66 : memref<10240xf32, #tpu.memory_space<vmem_shared>>) dst(%arg6 : memref<10240xf32, #tpu.memory_space<vmem>>)
      tpu.yield
    }) : () -> ()
    %mul3A_37 = arith.constant 9984 : i32
    %mul3A_38 = arith.muli %arg0, %mul3A_37 : i32
    %parallel_loop3A_39 = arith.constant 0 : i32
    %parallel_loop3A_40 = arith.constant 624 : i32
    %parallel_loop3A_41 = arith.constant 1 : i32
    scf.for %parallel_loop3A_54 = %parallel_loop3A_39 to %parallel_loop3A_40 step %parallel_loop3A_41  : i32 {
      %parallel_loop3A_55 = arith.constant 16 : i32
      %parallel_loop3A_56 = arith.muli %parallel_loop3A_54, %parallel_loop3A_55 : i32
      %parallel_loop3A_57 = arith.addi %mul3A_38, %parallel_loop3A_56 : i32
      %parallel_loop3A_58 = arith.constant 0 : i32
      %parallel_loop3A_59 = arith.index_cast %parallel_loop3A_58 : i32 to index
      %parallel_loop3A_60 = arith.index_cast %parallel_loop3A_57 : i32 to index
      %parallel_loop3A_61 = tpu.vector_load %arg4[%parallel_loop3A_59, %parallel_loop3A_60] {strides = array<i32>} : memref<2x19968xi32, #tpu.memory_space<vmem>>, vector<16xi32>,
      %parallel_loop3A_62 = arith.constant 16 : i32
      %parallel_loop3A_63 = arith.muli %parallel_loop3A_54, %parallel_loop3A_62 : i32
      %parallel_loop3A_64 = arith.addi %mul3A_38, %parallel_loop3A_63 : i32
      %parallel_loop3A_65 = arith.constant 1 : i32
      %parallel_loop3A_66 = arith.index_cast %parallel_loop3A_65 : i32 to index
      %parallel_loop3A_67 = arith.index_cast %parallel_loop3A_64 : i32 to index
      %parallel_loop3A_68 = tpu.vector_load %arg4[%parallel_loop3A_66, %parallel_loop3A_67] {strides = array<i32>} : memref<2x19968xi32, #tpu.memory_space<vmem>>, vector<16xi32>,
      %parallel_loop3A_69 = tpu.vector_load_idx %arg6[%parallel_loop3A_61] : memref<10240xf32, #tpu.memory_space<vmem>>[vector<16xi32>], vector<16xf32>,
      %parallel_loop3A_70 = tpu.vector_load_idx %arg6[%parallel_loop3A_68] : memref<10240xf32, #tpu.memory_space<vmem>>[vector<16xi32>], vector<16xf32>,
      %parallel_loop3A_71 = arith.mulf %parallel_loop3A_69, %parallel_loop3A_70 : vector<16xf32>
      %parallel_loop3A_72 = arith.constant 16 : i32
      %parallel_loop3A_73 = arith.muli %parallel_loop3A_54, %parallel_loop3A_72 : i32
      %parallel_loop3A_74 = arith.index_cast %parallel_loop3A_73 : i32 to index
      %parallel_loop3A_75 = tpu.vector_load %arg9[%parallel_loop3A_74] {strides = array<i32>} : memref<9984xf32, #tpu.memory_space<vmem>>, vector<16xf32>,
      tpu.vector_store %arg9[%parallel_loop3A_74], %parallel_loop3A_71 {strides = array<i32>} : memref<9984xf32, #tpu.memory_space<vmem>>, vector<16xf32>,
    } {sc.loop_unroll_factor = 8 : i64, sc.parallel_access}
    %mul3A_42 = arith.constant 19968 : i32
    %mul3A_43 = arith.muli %arg1, %mul3A_42 : i32
    %mul3A_44 = arith.constant 9984 : i32
    %mul3A_45 = arith.muli %arg0, %mul3A_44 : i32
    %add3A = arith.addi %mul3A_43, %mul3A_45 : i32
    %run_scoped3A_46 = arith.constant 0 : i32
    %run_scoped3A_47 = arith.constant 0 : i32
    "tpu.region"() ({
      %run_scoped3A_54 = tpu.sem_alloc : memref<!tpu.dma_semaphore, #tpu.memory_space<semaphore_mem>>
      %dma_start3A_55 = tpu.memref_slice %arg3[%run_scoped3A_46, %run_scoped3A_47, %add3A] : memref<1x1x320000xf32, #tpu.memory_space<hbm>> -> memref<1x1x9984xf32, #tpu.memory_space<hbm>>
      %dma_start3A_56 = tpu.memref_squeeze %dma_start3A_55 : memref<1x1x9984xf32, #tpu.memory_space<hbm>> -> memref<9984xf32, #tpu.memory_space<hbm>>
      %dma_start3A_57 = tpu.memref_slice %arg3[%run_scoped3A_46, %run_scoped3A_47, %add3A] : memref<1x1x320000xf32, #tpu.memory_space<hbm>> -> memref<1x1x9984xf32, #tpu.memory_space<hbm>>
      %dma_start3A_58 = tpu.memref_squeeze %dma_start3A_57 : memref<1x1x9984xf32, #tpu.memory_space<hbm>> -> memref<9984xf32, #tpu.memory_space<hbm>>
      tpu.enqueue_dma source(%arg9 : memref<9984xf32, #tpu.memory_space<vmem>>) target(%dma_start3A_58 : memref<9984xf32, #tpu.memory_space<hbm>>) target_semaphore(%run_scoped3A_54 : memref<!tpu.dma_semaphore, #tpu.memory_space<semaphore_mem>>)
      %dma_wait3A_59 = tpu.memref_slice %arg3[%run_scoped3A_46, %run_scoped3A_47, %add3A] : memref<1x1x320000xf32, #tpu.memory_space<hbm>> -> memref<1x1x9984xf32, #tpu.memory_space<hbm>>
      %dma_wait3A_60 = tpu.memref_squeeze %dma_wait3A_59 : memref<1x1x9984xf32, #tpu.memory_space<hbm>> -> memref<9984xf32, #tpu.memory_space<hbm>>
      %dma_wait3A_61 = tpu.memref_slice %arg3[%run_scoped3A_46, %run_scoped3A_47, %add3A] : memref<1x1x320000xf32, #tpu.memory_space<hbm>> -> memref<1x1x9984xf32, #tpu.memory_space<hbm>>
      %dma_wait3A_62 = tpu.memref_squeeze %dma_wait3A_61 : memref<1x1x9984xf32, #tpu.memory_space<hbm>> -> memref<9984xf32, #tpu.memory_space<hbm>>
      tpu.wait_dma2 semaphore(%run_scoped3A_54 : memref<!tpu.dma_semaphore, #tpu.memory_space<semaphore_mem>>) src(%arg9 : memref<9984xf32, #tpu.memory_space<vmem>>) dst(%dma_wait3A_62 : memref<9984xf32, #tpu.memory_space<hbm>>)
      tpu.yield
    }) : () -> ()
    %eq3A = arith.constant 1 : i32
    %eq3A_48 = arith.cmpi eq, %arg0, %eq3A : i32
    %lt3A_49 = arith.constant 4 : i32
    %lt3A_50 = arith.cmpi slt, %arg1, %lt3A_49 : i32
    %and3A = arith.andi %eq3A_48, %lt3A_50 : i1
    %convert_element_type3A_51 = arith.extui %and3A : i1 to i32
    %cond3A_52 = arith.constant 0 : i32
    %cond3A_53 = arith.cmpi ne, %convert_element_type3A_51, %cond3A_52 : i32
    scf.if %cond3A_53 {
      %get3A = arith.constant 0 : i32
      %get3A_54 = arith.index_cast %get3A : i32 to index
      %get3A_55 = arith.constant 0 : index
      %get3A_56 = tpu.vector_load %arg5[%get3A_54, %get3A_55] {strides = array<i32>} : memref<2x128xi32, #tpu.memory_space<vmem>>, vector<16xi32>,
      %get3A_57 = arith.constant 1 : i32
      %get3A_58 = arith.index_cast %get3A_57 : i32 to index
      %get3A_59 = arith.constant 0 : index
      %get3A_60 = tpu.vector_load %arg5[%get3A_58, %get3A_59] {strides = array<i32>} : memref<2x128xi32, #tpu.memory_space<vmem>>, vector<16xi32>,
      %gather3A = tpu.vector_load_idx %arg6[%get3A_56] : memref<10240xf32, #tpu.memory_space<vmem>>[vector<16xi32>], vector<16xf32>,
      %gather3A_61 = tpu.vector_load_idx %arg6[%get3A_60] : memref<10240xf32, #tpu.memory_space<vmem>>[vector<16xi32>], vector<16xf32>,
      %mul3A_62 = arith.mulf %gather3A, %gather3A_61 : vector<16xf32>
      %swap3A = arith.constant 0 : index
      %swap3A_63 = tpu.vector_load %arg10[%swap3A] {strides = array<i32>} : memref<128xf32, #tpu.memory_space<vmem>>, vector<16xf32>,
      tpu.vector_store %arg10[%swap3A], %mul3A_62 {strides = array<i32>} : memref<128xf32, #tpu.memory_space<vmem>>, vector<16xf32>,
      %get3A_64 = arith.constant 0 : i32
      %get3A_65 = arith.index_cast %get3A_64 : i32 to index
      %get3A_66 = arith.constant 16 : index
      %get3A_67 = tpu.vector_load %arg5[%get3A_65, %get3A_66] {strides = array<i32>} : memref<2x128xi32, #tpu.memory_space<vmem>>, vector<16xi32>,
      %get3A_68 = arith.constant 1 : i32
      %get3A_69 = arith.index_cast %get3A_68 : i32 to index
      %get3A_70 = arith.constant 16 : index
      %get3A_71 = tpu.vector_load %arg5[%get3A_69, %get3A_70] {strides = array<i32>} : memref<2x128xi32, #tpu.memory_space<vmem>>, vector<16xi32>,
      %gather3A_72 = tpu.vector_load_idx %arg6[%get3A_67] : memref<10240xf32, #tpu.memory_space<vmem>>[vector<16xi32>], vector<16xf32>,
      %gather3A_73 = tpu.vector_load_idx %arg6[%get3A_71] : memref<10240xf32, #tpu.memory_space<vmem>>[vector<16xi32>], vector<16xf32>,
      %mul3A_74 = arith.mulf %gather3A_72, %gather3A_73 : vector<16xf32>
      %swap3A_75 = arith.constant 16 : index
      %swap3A_76 = tpu.vector_load %arg10[%swap3A_75] {strides = array<i32>} : memref<128xf32, #tpu.memory_space<vmem>>, vector<16xf32>,
      tpu.vector_store %arg10[%swap3A_75], %mul3A_74 {strides = array<i32>} : memref<128xf32, #tpu.memory_space<vmem>>, vector<16xf32>,
      %get3A_77 = arith.constant 0 : i32
      %get3A_78 = arith.index_cast %get3A_77 : i32 to index
      %get3A_79 = arith.constant 32 : index
      %get3A_80 = tpu.vector_load %arg5[%get3A_78, %get3A_79] {strides = array<i32>} : memref<2x128xi32, #tpu.memory_space<vmem>>, vector<16xi32>,
      %get3A_81 = arith.constant 1 : i32
      %get3A_82 = arith.index_cast %get3A_81 : i32 to index
      %get3A_83 = arith.constant 32 : index
      %get3A_84 = tpu.vector_load %arg5[%get3A_82, %get3A_83] {strides = array<i32>} : memref<2x128xi32, #tpu.memory_space<vmem>>, vector<16xi32>,
      %gather3A_85 = tpu.vector_load_idx %arg6[%get3A_80] : memref<10240xf32, #tpu.memory_space<vmem>>[vector<16xi32>], vector<16xf32>,
      %gather3A_86 = tpu.vector_load_idx %arg6[%get3A_84] : memref<10240xf32, #tpu.memory_space<vmem>>[vector<16xi32>], vector<16xf32>,
      %mul3A_87 = arith.mulf %gather3A_85, %gather3A_86 : vector<16xf32>
      %swap3A_88 = arith.constant 32 : index
      %swap3A_89 = tpu.vector_load %arg10[%swap3A_88] {strides = array<i32>} : memref<128xf32, #tpu.memory_space<vmem>>, vector<16xf32>,
      tpu.vector_store %arg10[%swap3A_88], %mul3A_87 {strides = array<i32>} : memref<128xf32, #tpu.memory_space<vmem>>, vector<16xf32>,
      %get3A_90 = arith.constant 0 : i32
      %get3A_91 = arith.index_cast %get3A_90 : i32 to index
      %get3A_92 = arith.constant 48 : index
      %get3A_93 = tpu.vector_load %arg5[%get3A_91, %get3A_92] {strides = array<i32>} : memref<2x128xi32, #tpu.memory_space<vmem>>, vector<16xi32>,
      %get3A_94 = arith.constant 1 : i32
      %get3A_95 = arith.index_cast %get3A_94 : i32 to index
      %get3A_96 = arith.constant 48 : index
      %get3A_97 = tpu.vector_load %arg5[%get3A_95, %get3A_96] {strides = array<i32>} : memref<2x128xi32, #tpu.memory_space<vmem>>, vector<16xi32>,
      %gather3A_98 = tpu.vector_load_idx %arg6[%get3A_93] : memref<10240xf32, #tpu.memory_space<vmem>>[vector<16xi32>], vector<16xf32>,
      %gather3A_99 = tpu.vector_load_idx %arg6[%get3A_97] : memref<10240xf32, #tpu.memory_space<vmem>>[vector<16xi32>], vector<16xf32>,
      %mul3A_100 = arith.mulf %gather3A_98, %gather3A_99 : vector<16xf32>
      %swap3A_101 = arith.constant 48 : index
      %swap3A_102 = tpu.vector_load %arg10[%swap3A_101] {strides = array<i32>} : memref<128xf32, #tpu.memory_space<vmem>>, vector<16xf32>,
      tpu.vector_store %arg10[%swap3A_101], %mul3A_100 {strides = array<i32>} : memref<128xf32, #tpu.memory_space<vmem>>, vector<16xf32>,
      %get3A_103 = arith.constant 0 : i32
      %get3A_104 = arith.index_cast %get3A_103 : i32 to index
      %get3A_105 = arith.constant 64 : index
      %get3A_106 = tpu.vector_load %arg5[%get3A_104, %get3A_105] {strides = array<i32>} : memref<2x128xi32, #tpu.memory_space<vmem>>, vector<16xi32>,
      %get3A_107 = arith.constant 1 : i32
      %get3A_108 = arith.index_cast %get3A_107 : i32 to index
      %get3A_109 = arith.constant 64 : index
      %get3A_110 = tpu.vector_load %arg5[%get3A_108, %get3A_109] {strides = array<i32>} : memref<2x128xi32, #tpu.memory_space<vmem>>, vector<16xi32>,
      %gather3A_111 = tpu.vector_load_idx %arg6[%get3A_106] : memref<10240xf32, #tpu.memory_space<vmem>>[vector<16xi32>], vector<16xf32>,
      %gather3A_112 = tpu.vector_load_idx %arg6[%get3A_110] : memref<10240xf32, #tpu.memory_space<vmem>>[vector<16xi32>], vector<16xf32>,
      %mul3A_113 = arith.mulf %gather3A_111, %gather3A_112 : vector<16xf32>
      %swap3A_114 = arith.constant 64 : index
      %swap3A_115 = tpu.vector_load %arg10[%swap3A_114] {strides = array<i32>} : memref<128xf32, #tpu.memory_space<vmem>>, vector<16xf32>,
      tpu.vector_store %arg10[%swap3A_114], %mul3A_113 {strides = array<i32>} : memref<128xf32, #tpu.memory_space<vmem>>, vector<16xf32>,
      %get3A_116 = arith.constant 0 : i32
      %get3A_117 = arith.index_cast %get3A_116 : i32 to index
      %get3A_118 = arith.constant 80 : index
      %get3A_119 = tpu.vector_load %arg5[%get3A_117, %get3A_118] {strides = array<i32>} : memref<2x128xi32, #tpu.memory_space<vmem>>, vector<16xi32>,
      %get3A_120 = arith.constant 1 : i32
      %get3A_121 = arith.index_cast %get3A_120 : i32 to index
      %get3A_122 = arith.constant 80 : index
      %get3A_123 = tpu.vector_load %arg5[%get3A_121, %get3A_122] {strides = array<i32>} : memref<2x128xi32, #tpu.memory_space<vmem>>, vector<16xi32>,
      %gather3A_124 = tpu.vector_load_idx %arg6[%get3A_119] : memref<10240xf32, #tpu.memory_space<vmem>>[vector<16xi32>], vector<16xf32>,
      %gather3A_125 = tpu.vector_load_idx %arg6[%get3A_123] : memref<10240xf32, #tpu.memory_space<vmem>>[vector<16xi32>], vector<16xf32>,
      %mul3A_126 = arith.mulf %gather3A_124, %gather3A_125 : vector<16xf32>
      %swap3A_127 = arith.constant 80 : index
      %swap3A_128 = tpu.vector_load %arg10[%swap3A_127] {strides = array<i32>} : memref<128xf32, #tpu.memory_space<vmem>>, vector<16xf32>,
      tpu.vector_store %arg10[%swap3A_127], %mul3A_126 {strides = array<i32>} : memref<128xf32, #tpu.memory_space<vmem>>, vector<16xf32>,
      %get3A_129 = arith.constant 0 : i32
      %get3A_130 = arith.index_cast %get3A_129 : i32 to index
      %get3A_131 = arith.constant 96 : index
      %get3A_132 = tpu.vector_load %arg5[%get3A_130, %get3A_131] {strides = array<i32>} : memref<2x128xi32, #tpu.memory_space<vmem>>, vector<16xi32>,
      %get3A_133 = arith.constant 1 : i32
      %get3A_134 = arith.index_cast %get3A_133 : i32 to index
      %get3A_135 = arith.constant 96 : index
      %get3A_136 = tpu.vector_load %arg5[%get3A_134, %get3A_135] {strides = array<i32>} : memref<2x128xi32, #tpu.memory_space<vmem>>, vector<16xi32>,
      %gather3A_137 = tpu.vector_load_idx %arg6[%get3A_132] : memref<10240xf32, #tpu.memory_space<vmem>>[vector<16xi32>], vector<16xf32>,
      %gather3A_138 = tpu.vector_load_idx %arg6[%get3A_136] : memref<10240xf32, #tpu.memory_space<vmem>>[vector<16xi32>], vector<16xf32>,
      %mul3A_139 = arith.mulf %gather3A_137, %gather3A_138 : vector<16xf32>
      %swap3A_140 = arith.constant 96 : index
      %swap3A_141 = tpu.vector_load %arg10[%swap3A_140] {strides = array<i32>} : memref<128xf32, #tpu.memory_space<vmem>>, vector<16xf32>,
      tpu.vector_store %arg10[%swap3A_140], %mul3A_139 {strides = array<i32>} : memref<128xf32, #tpu.memory_space<vmem>>, vector<16xf32>,
      %get3A_142 = arith.constant 0 : i32
      %get3A_143 = arith.index_cast %get3A_142 : i32 to index
      %get3A_144 = arith.constant 112 : index
      %get3A_145 = tpu.vector_load %arg5[%get3A_143, %get3A_144] {strides = array<i32>} : memref<2x128xi32, #tpu.memory_space<vmem>>, vector<16xi32>,
      %get3A_146 = arith.constant 1 : i32
      %get3A_147 = arith.index_cast %get3A_146 : i32 to index
      %get3A_148 = arith.constant 112 : index
      %get3A_149 = tpu.vector_load %arg5[%get3A_147, %get3A_148] {strides = array<i32>} : memref<2x128xi32, #tpu.memory_space<vmem>>, vector<16xi32>,
      %gather3A_150 = tpu.vector_load_idx %arg6[%get3A_145] : memref<10240xf32, #tpu.memory_space<vmem>>[vector<16xi32>], vector<16xf32>,
      %gather3A_151 = tpu.vector_load_idx %arg6[%get3A_149] : memref<10240xf32, #tpu.memory_space<vmem>>[vector<16xi32>], vector<16xf32>,
      %mul3A_152 = arith.mulf %gather3A_150, %gather3A_151 : vector<16xf32>
      %swap3A_153 = arith.constant 112 : index
      %swap3A_154 = tpu.vector_load %arg10[%swap3A_153] {strides = array<i32>} : memref<128xf32, #tpu.memory_space<vmem>>, vector<16xf32>,
      tpu.vector_store %arg10[%swap3A_153], %mul3A_152 {strides = array<i32>} : memref<128xf32, #tpu.memory_space<vmem>>, vector<16xf32>,
      %mul3A_155 = arith.constant 128 : i32
      %mul3A_156 = arith.muli %arg1, %mul3A_155 : i32
      %add3A_157 = arith.constant 319488 : i32
      %add3A_158 = arith.addi %add3A_157, %mul3A_156 : i32
      %run_scoped3A_159 = arith.constant 0 : i32
      %run_scoped3A_160 = arith.constant 0 : i32
      "tpu.region"() ({
        %run_scoped3A_161 = tpu.sem_alloc : memref<!tpu.dma_semaphore, #tpu.memory_space<semaphore_mem>>
        %dma_start3A_162 = tpu.memref_slice %arg3[%run_scoped3A_159, %run_scoped3A_160, %add3A_158] : memref<1x1x320000xf32, #tpu.memory_space<hbm>> -> memref<1x1x128xf32, #tpu.memory_space<hbm>>
        %dma_start3A_163 = tpu.memref_squeeze %dma_start3A_162 : memref<1x1x128xf32, #tpu.memory_space<hbm>> -> memref<128xf32, #tpu.memory_space<hbm>>
        %dma_start3A_164 = tpu.memref_slice %arg3[%run_scoped3A_159, %run_scoped3A_160, %add3A_158] : memref<1x1x320000xf32, #tpu.memory_space<hbm>> -> memref<1x1x128xf32, #tpu.memory_space<hbm>>
        %dma_start3A_165 = tpu.memref_squeeze %dma_start3A_164 : memref<1x1x128xf32, #tpu.memory_space<hbm>> -> memref<128xf32, #tpu.memory_space<hbm>>
        tpu.enqueue_dma source(%arg10 : memref<128xf32, #tpu.memory_space<vmem>>) target(%dma_start3A_165 : memref<128xf32, #tpu.memory_space<hbm>>) target_semaphore(%run_scoped3A_161 : memref<!tpu.dma_semaphore, #tpu.memory_space<semaphore_mem>>)
        %dma_wait3A_166 = tpu.memref_slice %arg3[%run_scoped3A_159, %run_scoped3A_160, %add3A_158] : memref<1x1x320000xf32, #tpu.memory_space<hbm>> -> memref<1x1x128xf32, #tpu.memory_space<hbm>>
        %dma_wait3A_167 = tpu.memref_squeeze %dma_wait3A_166 : memref<1x1x128xf32, #tpu.memory_space<hbm>> -> memref<128xf32, #tpu.memory_space<hbm>>
        %dma_wait3A_168 = tpu.memref_slice %arg3[%run_scoped3A_159, %run_scoped3A_160, %add3A_158] : memref<1x1x320000xf32, #tpu.memory_space<hbm>> -> memref<1x1x128xf32, #tpu.memory_space<hbm>>
        %dma_wait3A_169 = tpu.memref_squeeze %dma_wait3A_168 : memref<1x1x128xf32, #tpu.memory_space<hbm>> -> memref<128xf32, #tpu.memory_space<hbm>>
        tpu.wait_dma2 semaphore(%run_scoped3A_161 : memref<!tpu.dma_semaphore, #tpu.memory_space<semaphore_mem>>) src(%arg10 : memref<128xf32, #tpu.memory_space<vmem>>) dst(%dma_wait3A_169 : memref<128xf32, #tpu.memory_space<hbm>>)
        tpu.yield
      }) : () -> ()
    } else {
    }
    return
  }
}

</mosaic_0001>

<sc_bundles>
// kernel: kernel.3.cloned.1.call-start
scs
__scs_entry_jumppad:
0x0: {  	(pc) =	sbr.rel $0x88, $3  }
0x1: {  	(tag) =	ssettag $0x0;
	lr =	simm.s32 $0x1  }
0x2: {  	[smem:$0x3FA0] =	sst lr;
	_ =	strace $0xD0000000  }
0x3: {  	_ = 	snop  }
0x4: {  	_ = 	snop  }
0x5: {  	_ = 	snop  }
0x6: {  	_ = 	snop  }
0x7: {  	_ = 	snop  }
__scs_overlays_trampoline_lowered:
0x8: {  	[smem:$0x3FAF] =	sst s0  }
0x9: {  	[smem:$0x3FB0] =	sst s1  }
0xa: {  	[smem:$0x3FB1] =	sst s2  }
0xb: {  	[smem:$0x3FB2] =	sst s3  }
0xc: {  	[smem:$0x3FB3] =	sst s4  }
0xd: {  	[smem:$0x3FB4] =	sst s5  }
0xe: {  	[smem:$0x3FB5] =	sst s6  }
0xf: {  	[smem:$0x3FB6] =	sst s7  }
0x10: {  	[smem:$0x3FB7] =	sst s8  }
0x11: {  	[smem:$0x3FB8] =	sst s9;
	s0 =	simm.s32 @!p0 $0x0  }
0x12: {  	s1 =	sld [smem:$0x3F9E];
	s0 =	simm.s32 @p0 $0x1  }
0x13: {  	[smem:$0x3FB9] =	sst s0;
	s0 =	simm.s32 @!p1 $0x0  }
0x14: {  	s2 =	sld [smem:$0x3F9D];
	s0 =	simm.s32 @p1 $0x1  }
0x15: {  	[smem:$0x3FBA] =	sst s0;
	s0 =	simm.s32 @!p2 $0x0  }
0x16: {  	s3 =	sld [smem:$0x3FDB];
	s0 =	simm.s32 @p2 $0x1  }
0x17: {  	s4 =	simm.s32 $0x1BF5;
	[smem:$0x3FBC] =	sst s0  }
0x18: {  	s0 =	sld [smem:$0x3F9F];
	_ =	swait.ge [sflag:s4], $0x0  }
0x19: {  	s7 =	sld [smem:$0x3FA0]  }
0x1a: {  	s8 =	sadd.s32 $0xFFFFE003, lr  }
0x1b: {  	s9 =	sadd.s32 $0xFFFFFEF7, lr;
	s5 =	simm.s32 $0xFFFFFFFF;
	p2 =	slt.u32 s8, $0xFFFFF086  }
0x1c: {  	p1 =	slt.u32 s9, $0xF7A;
	s5 =	simm.s32 @!p2 $0x0  }
0x1d: {  	s5 =	simm.s32 @p1 $0x1;
	p0 =	seq.s32 s7, s2  }
0x1e: {  	s7 =	smul.u32 @!p0 $0xF7A, s2;
	p2 =	seq.s32 @!p0 s5, $0x0  }
0x1f: {  	s9 =	smul.u32 $0xF7A, s1;
	s8 =	simm.s32 @!p0 $0x1BF5;
	p2 =	por !p2, p0  }
0x20: {  	[sflag:s8] =	ssyncset.s32 @!p0 $0xFFFFF086;
	s6 =	sadd.s32 @!p0 s3, s7;
	s7 =	simm.s32 @!p0 $0x108  }
0x21: {  	s3 =	sadd.s32 s3, s9;
	s6 =	sadd.s32 @!p0 $0x88, s6;
	s7 =	simm.s32 @p2 $0x1082  }
0x22: {  	[simem:s7], [sflag:s8] =	dma.local @!p0 [hbm:s6], $0xF7A  }
0x23: {  	s9 =	sor.u32 $0xD0000000, s2;
	s6 =	simm.s32 $0x108;
	_ =	swait.ge @!p0 [sflag:s8], $0x0  }
0x24: {  	s3 =	sadd.s32 $0x88, s3;
	s6 =	simm.s32 @!p1 $0x1082;
	[sflag:s4] =	ssyncset.s32 $0xFFFFF086  }
0x25: {  	[simem:s6], [sflag:s4] =	dma.local [hbm:s3], $0xF7A  }
0x26: {  	[smem:$0x3FA0] =	sst s1;
	(tag) =	ssettag s2;
	_ =	strace s9  }
0x27: {  	s1 =	sld [smem:$0x3FB0]  }
0x28: {  	s2 =	sld [smem:$0x3FB1]  }
0x29: {  	s4 =	sld [smem:$0x3FB3]  }
0x2a: {  	p0 =	seq.s32 s5, $0x0;
	s5 =	sld [smem:$0x3FB4]  }
0x2b: {  	s6 =	sld [smem:$0x3FB5]  }
0x2c: {  	s7 =	sld [smem:$0x3FB6]  }
0x2d: {  	s3 =	simm.s32 $0x108;
	s8 =	sld [smem:$0x3FB7]  }
0x2e: {  	s3 =	simm.s32 @!p0 $0x1082;
	s9 =	sld [smem:$0x3FB8]  }
0x2f: {  	lr =	sadd.s32 s0, s3;
	s0 =	sld [smem:$0x3FAF]  }
0x30: {  	s3 =	sld [smem:$0x3FB2]  }
0x31: {  	[smem:$0x3FBB] =	sst s10  }
0x32: {  	s10 =	sld [smem:$0x3FB9];
	_ =	sdelay $0x3  }
0x33: {  	p0 =	seq.s32 s10, $0x1;
	s10 =	sld [smem:$0x3FBB];
	_ =	sdelay $0x3  }
0x34: {  	[smem:$0x3FBB] =	sst s10  }
0x35: {  	s10 =	sld [smem:$0x3FBA];
	_ =	sdelay $0x3  }
0x36: {  	p1 =	seq.s32 s10, $0x1;
	s10 =	sld [smem:$0x3FBB];
	_ =	sdelay $0x3  }
0x37: {  	[smem:$0x3FBB] =	sst s10  }
0x38: {  	s10 =	sld [smem:$0x3FBC]  }
0x39: {  	_ = 	snop;
	(pc) =	sbr.ind lr, $3  }
0x3a: {  	_ = 	snop  }
0x3b: {  	_ = 	snop  }
0x3c: {  	p2 =	seq.s32 s10, $0x1;
	s10 =	sld [smem:$0x3FBB]  }
0x3d: {  	_ =	shalt  }
0x3e: {  	_ =	shalt  }
0x3f: {  	_ =	shalt  }
0x40: {  	_ =	shalt  }
0x41: {  	_ =	shalt  }
0x42: {  	_ =	shalt  }
0x43: {  	_ =	shalt  }
0x44: {  	_ =	shalt  }
0x45: {  	_ =	shalt  }
0x46: {  	_ =	shalt  }
0x47: {  	_ =	shalt  }
0x48: {  	_ =	shalt  }
0x49: {  	_ =	shalt  }
0x4a: {  	_ =	shalt  }
0x4b: {  	_ =	shalt  }
0x4c: {  	_ =	shalt  }
0x4d: {  	_ =	shalt  }
0x4e: {  	_ =	shalt  }
0x4f: {  	_ =	shalt  }
0x50: {  	_ =	shalt  }
0x51: {  	_ =	shalt  }
0x52: {  	_ =	shalt  }
0x53: {  	_ =	shalt  }
0x54: {  	_ =	shalt  }
0x55: {  	_ =	shalt  }
0x56: {  	_ =	shalt  }
0x57: {  	_ =	shalt  }
0x58: {  	_ =	shalt  }
0x59: {  	_ =	shalt  }
0x5a: {  	_ =	shalt  }
0x5b: {  	_ =	shalt  }
0x5c: {  	_ =	shalt  }
0x5d: {  	_ =	shalt  }
0x5e: {  	_ =	shalt  }
0x5f: {  	_ =	shalt  }
0x60: {  	_ =	shalt  }
0x61: {  	_ =	shalt  }
0x62: {  	_ =	shalt  }
0x63: {  	_ =	shalt  }
0x64: {  	_ =	shalt  }
0x65: {  	_ =	shalt  }
0x66: {  	_ =	shalt  }
0x67: {  	_ =	shalt  }
0x68: {  	_ =	shalt  }
0x69: {  	_ =	shalt  }
0x6a: {  	_ =	shalt  }
0x6b: {  	_ =	shalt  }
0x6c: {  	_ =	shalt  }
0x6d: {  	_ =	shalt  }
0x6e: {  	_ =	shalt  }
0x6f: {  	_ =	shalt  }
0x70: {  	_ =	shalt  }
0x71: {  	_ =	shalt  }
0x72: {  	_ =	shalt  }
0x73: {  	_ =	shalt  }
0x74: {  	_ =	shalt  }
0x75: {  	_ =	shalt  }
0x76: {  	_ =	shalt  }
0x77: {  	_ =	shalt  }
0x78: {  	_ =	shalt  }
0x79: {  	_ =	shalt  }
0x7a: {  	_ =	shalt  }
0x7b: {  	_ =	shalt  }
0x7c: {  	_ =	shalt  }
0x7d: {  	_ =	shalt  }
0x7e: {  	_ =	shalt  }
0x7f: {  	_ =	shalt  }
0x80: {  	_ =	shalt  }
0x81: {  	_ =	shalt  }
0x82: {  	_ =	shalt  }
0x83: {  	_ =	shalt  }
0x84: {  	_ =	shalt  }
0x85: {  	_ =	shalt  }
0x86: {  	_ =	shalt  }
0x87: {  	_ =	shalt  }
.Lfunc_end0:
.L_simem_size_0:
called_computation_lowered:
.L_overlay_start_0:
0x88: {  	s2 =	sld [smem:$0x3FD9]  }
0x89: {  	s3 =	sld [smem:$0x3FFE];
	_ =	sdelay $0x1  }
0x8a: {  	s1 =	srdreg.scid  }
0x8b: {  	s0 =	sand.u32 $0x1, s1  }
0x8c: {  	s18 =	sshll.u32 s0, $0xA;
	s2 =	sadd.s32 s3, s2  }
0x8d: {  	s2 =	sadd.s32 s2, s18  }
0x8e: {  	[smem:$0x3FC7] =	sst s2  }
0x8f: {  	_ = 	snop  }
0x90: {  	s2 =	sld [smem:$0x3FC9]  }
0x91: {  	s19 =	sld [smem:$0x3FD0];
	(tm) =	ssettm $0x1  }
0x92: {  	s4 =	sld [smem:$0x3FFB];
	_ =	sdelay $0x3  }
0x93: {  	_ =	strace s4  }
0x94: {  	s4 =	sld [smem:$0x3FFC];
	_ =	sdelay $0x3  }
0x95: {  	_ =	strace s4  }
0x96: {  	s4 =	sld [smem:$0x3FFD];
	_ =	sdelay $0x3  }
0x97: {  	_ =	strace s4  }
0x98: {  	_ =	strace $0x8FFFFFFF  }
0x99: {  	s20 =	sld [smem:$0x3FDB];
	_ =	sdelay $0x1  }
0x9a: {  	s5 =	simm.s32 $_scs_section_size  }
0x9b: {  	s6 =	simm.s32 $_size__tile_overlayer_lowered;
	s7 =	simm.s32 $_tile_overlayer_lowered  }
0x9c: {  	s23 =	simm.s32 $0x1BFF;
	s22 =	sshll.u32 s7, $0x1;
	s4 =	sadd.s32 s5, s20  }
0x9d: {  	s8 =	simm.s32 $0x0;
	s21 =	sshll.u32 s6, $0x1;
	s6 =	sadd.s32 s22, s4  }
0x9e: {  	[timem:s8], [sflag:s23] =	dma.local [hbm:s6], s21  }
0x9f: {  	_ =	swait.ge [sflag:s23], s21  }
0xa0: {  	s5 =	ssub.s32 $0x0, s21;
	[sflag:s23] =	ssyncset.done $0x0  }
0xa1: {  	[sflag:s23] =	ssyncadd.s32 s5;
	_ =	sdelay $0x1  }
0xa2: {  	s24 =	simm.s32 $0x1B8B  }
0xa3: {  	_ =	swait.ge [sflag:s24], $0x1  }
0xa4: {  	[sflag:s24] =	ssyncset.done $0x0  }
0xa5: {  	s25 =	simm.s32 $0x1B8E;
	[sflag:s24] =	ssyncadd.s32 $0xFFFFFFFF  }
0xa6: {  	s26 =	simm.s32 $execute0_lowered;
	[smem:$0x3FD2] =	sst s25  }
0xa7: {  	s5 =	sshll.u32 s26, $0x1;
	_ =	strace $0x80000046;
	[dreg:$0x1] =	wrdreg $0xFFFFFFFF  }
0xa8: {  	s28 =	simm.s32 $_size_execute0_lowered;
	s4 =	sadd.s32 s4, s5;
	[dreg:$0x0] =	wrdreg $0x0  }
0xa9: {  	s5 =	sshll.u32 s28, $0x1;
	[dreg:$0x2] =	wrdreg s4  }
0xaa: {  	[dreg:$0x3] =	wrdreg s5  }
0xab: {  	[dreg:$0x4] =	wrdreg $0xC0  }
0xac: {  	_ =	task [dreg:s8], $0x5FFFF  }
0xad: {  	[dreg:$0x1] =	wrdreg $0xFFFFFFFF  }
0xae: {  	[dreg:$0x0] =	wrdreg $0x60  }
0xaf: {  	[dreg:$0x2] =	wrdreg s2  }
0xb0: {  	[dreg:$0x3] =	wrdreg s19  }
0xb1: {  	[dreg:$0x4] =	wrdreg $0x117000  }
0xb2: {  	[dreg:$0x5] =	wrdreg $0x9  }
0xb3: {  	_ =	task.clear_ibuf [dreg:s8], $0x6FFFF;
	_ =	strace $0x90000046  }
0xb4: {  	s29 =	simm.s32 $0x9;
	_ =	strace $0x80000048  }
0xb5: {  	_ =	swait.ge [sflag:s29], $0x1  }
0xb6: {  	[sflag:s29] =	ssyncadd.s32 $0xFFFFFFFF  }
0xb7: {  	_ =	strace $0x90000048  }
0xb8: {  	_ =	sfence  }
0xb9: {  	s30 =	sld [smem:$0x0];
	_ =	sdelay $0x2  }
0xba: {  	s31 =	sshll.u32 s1, $0xD;
	s1 =	sshrl.u32 s1, $0x2  }
0xbb: {  	s3 =	sand.u32 $0x4000, s31;
	s1 =	sadd.s32 s1, s30  }
0xbc: {  	s0 =	sor.u32 s3, s0;
	s1 =	sshll.u32 s1, $0x11  }
0xbd: {  	s0 =	sor.u32 s1, s0  }
0xbe: {  	s0 =	sadd.s32 $0x8F2B, s0  }
0xbf: {  	[sflag:s0] =	ssyncadd.remote.s32 $0x1  }
0xc0: {  	_ =	sfence.sel $0xFFFF  }
0xc1: {  	[dreg:$0x0] =	wrdreg $0xFFFFFFFF;
	(pc) =	sbr.abs _section_cstart, $3  }
0xc2: {  	[dreg:$0x1] =	wrdreg $0xFFFFFFFF  }
0xc3: {  	_ =	task.clear_ibuf [dreg:s8], $0x2FFFF;
	_ =	strace $0x9FFFFFFF  }
0xc4: {  	(tm) =	ssettm $0x7FFFFFFF  }
0xc5: {  	_ =	shalt  }
tec
execute0_lowered:
.L_overlay_start_1:
0x0: {  	(tag) =	ssettag $0x1  }
0x1: {  	s0 =	rddreg [dreg:$0x0]  }
0x2: {  	s1 =	rddreg [dreg:$0x1];
	s2 =	srdreg.scid  }
0x3: {  	s8 =	rddreg [dreg:$0x2];
	s10 =	simm.s32 $0x0;
	s9 =	stileid.u32  }
0x4: {  	s2 =	sand.u32 $0x1, s2;
	[smem:$0x7FF] =	sst s10;
	s21 =	smul.u32 $0x1380, s9  }
0x5: {  	s5 =	smul.u32 $0x4E00, s9;
	s6 =	sshll.u32 s9, $0x5;
	s7 =	sshrl.u32 s9, $0x3  }
0x6: {  	p0 =	slt.u32 s9, $0x4;
	s23 =	smul.u32 $0x5000, s9;
	s24 =	sshll.u32 s9, $0x7  }
0x7: {  	s28 =	sshll.u32 s9, $0x4;
	s3 =	ssub.s32 $0x2, s2;
	s22 =	smul.u32 $0x50000, s7  }
0x8: {  	_ =	strace $0x80000047;
	s25 =	smul.u32 $0x2700, s2;
	p1 =	seq.s32 s2, $0x1  }
0x9: {  	s2 =	smul.u32 $0x13800, s2;
	s7 =	simm.s32 $0x2;
	s4 =	sshrl.u32 s3, $0x1  }
0xa: {  	p0 =	por !p0, !p1;
	p1 =	sgt.u32 s9, $0x3;
	s3 =	ssub.s32 s3, s4  }
0xb: {  	s4 =	sadd.s32 s0, s21;
	s0 =	sadd.s32 s6, s0;
	s6 =	sand.u32 $0x380, s24  }
0xc: {  	s26 =	sadd.s32 s25, s5;
	s29 =	sshrl.u32 s2, $0x2;
	[dreg:$0xa] =	wrdreg s4  }
0xd: {  	s0 =	sadd.s32 $0x13800, s0;
	s4 =	sshrl.u32 s22, $0x2;
	s30 =	smax.u32 s3, $0x1  }
0xe: {  	s31 =	sor.u32 $0x80, s29;
	[dreg:$0xb] =	wrdreg s0;
	s4 =	sadd.s32 s4, s8  }
0xf: {  	s0 =	sshrl.u32 s23, $0x2;
	[dreg:$0x10] =	wrdreg s30;
	s4 =	sadd.s32 s6, s4  }
0x10: {  	[dreg:$0xc] =	wrdreg s4;
	s4 =	sadd.s32 s0, s8;
	s0 =	sshrl.u32 s26, $0x3  }
0x11: {  	p0 =	por !p0, !p0;
	[dreg:$0x11] =	wrdreg s31;
	s0 =	sadd.s32 s1, s0  }
0x12: {  	s5 =	simm.s32 $0x80;
	[dreg:$0xe] =	wrdreg s0;
	s0 =	sadd.s32 s28, s1  }
0x13: {  	s2 =	simm.s32 $0x0;
	[dreg:$0xd] =	wrdreg s4;
	s0 =	sadd.s32 $0x9C00, s0  }
0x14: {  	v0 =	vimm.f32 $0.0e+00;
	s3 =	simm.s32 $0x9D00;
	s6 =	simm.s32 $0x400;
	[dreg:$0xf] =	wrdreg s0  }
.LBB2_1:
0x15: {  	s0 =	rddreg [dreg:$0xa]  }
0x16: {  	[tilespmem:s10], [sflag:$0x1] =	stream.linear.gather [hbm4b:s0+s10], $0x9C00, $0x38;
	[tilespmem:$0x13F00] =	vst v63  }
0x17: {  	[dreg:$0x12] =	wrdreg s2;
	s1 =	simm.s32 $0x100;
	s0 =	simm.s32 $0x0  }
.LBB2_2:
0x18: {  	p2 =	sne.s32 s1, $0x9F00;
	[tilespmem:s0+$0x9D30] =	vst v0;
	s2 =	smov.u32 s1;
	s1 =	sadd.s32 $0x100, s1  }
.Ltmp0:
0x19: {  	[tilespmem:s0+$0x9D20] =	vst v0;
	(pc) =	sbr.rel @p2 .LBB2_2-.Ltmp0, $3  }
0x1a: {  	[tilespmem:s0+$0x9D00] =	vst v0  }
0x1b: {  	[tilespmem:s0+$0x9D10] =	vst v0;
	_ =	sdelay $0x1  }
0x1c: {  	s0 =	sshra.s32 s2, $0x2  }
0x1d: {  	[tilespmem:s0+$0x9D30] =	vst v0  }
0x1e: {  	[tilespmem:s0+$0x9D20] =	vst v0  }
0x1f: {  	[tilespmem:s0+$0x9D00] =	vst v0  }
0x20: {  	[tilespmem:s0+$0x9D10] =	vst v0;
	s29 =	simm.s32 $0x1  }
0x21: {  	_ =	swait.ge [sflag:s29], $0x9C00  }
0x22: {  	s0 =	simm.s32 @!p1 $0x0;
	[sflag:s29] =	ssyncset.done $0x0  }
0x23: {  	s1 =	simm.s32 @!p1 $0x9C00;
	s2 =	rddreg [dreg:$0xb];
	[sflag:s29] =	ssyncadd.s32 $0xFFFF6400  }
0x24: {  	[tilespmem:s1], [sflag:$0x2] =	stream.linear.gather @!p1 [hbm4b:s2+s0], $0x100, $0x38;
	[tilespmem:$0x13F00] =	vst v63  }
0x25: {  	s0 =	simm.s32 @!p1 $0x2  }
0x26: {  	_ =	swait.ge @!p1 [sflag:s0], $0x100  }
0x27: {  	[sflag:s0] =	ssyncset.done @!p1 $0x0  }
0x28: {  	s30 =	simm.s32 $0x40;
	[sflag:s0] =	ssyncadd.s32 @!p1 $0xFFFFFF00  }
0x29: {  	v10 =	vld [tilespmem:s30+$0x30]  }
0x2a: {  	v11 =	vld [tilespmem:s30+$0xFFFFFFD0]  }
0x2b: {  	v12 =	vld [tilespmem:s30+$0xFFFFFFE0]  }
0x2c: {  	v13 =	vld [tilespmem:s30+$0xFFFFFFF0]  }
0x2d: {  	v14 =	vld [tilespmem:s30+$0x0]  }
0x2e: {  	v15 =	vld [tilespmem:s30+$0x10];
	(xrf1) =	vunique.msk.u32 $0xffff, v10  }
0x2f: {  	v16 =	vld [tilespmem:s30+$0x20];
	(xrf1) =	vunique.msk.u32 $0xffff, v11  }
0x30: {  	(xrf1) =	vunique.msk.u32 $0xffff, v12  }
0x31: {  	(xrf1) =	vunique.msk.u32 $0xffff, v13  }
0x32: {  	(xrf1) =	vunique.msk.u32 $0xffff, v14  }
0x33: {  	(xrf1) =	vunique.msk.u32 $0xffff, v15  }
0x34: {  	v6 =	vld [tilespmem:s30+$0xFFFFFFC0];
	(xrf1) =	vunique.msk.u32 $0xffff, v16;
	_ =	sdelay $0x3  }
0x35: {  	s31 =	simm.s32 $0x140  }
0x36: {  	v8 =	vld [tilespmem:s31+$0x30];
	(xrf1) =	vunique.msk.u32 $0xffff, v6  }
0x37: {  	v7 =	vld [tilespmem:s31+$0xFFFFFFD0]  }
0x38: {  	v1 =	vld [tilespmem:s31+$0xFFFFFFE0]  }
0x39: {  	v2 =	vld [tilespmem:s31+$0xFFFFFFF0];
	_, v9, vm0 =	vpop (xrf1)  }
0x3a: {  	v3 =	vld [tilespmem:s31+$0x0];
	_, v17, vm1 =	vpop (xrf1)  }
0x3b: {  	v4 =	vld [tilespmem:s31+$0x10];
	(xrf1) =	vunique.msk.u32 $0xffff, v8;
	_, v18, vm2 =	vpop (xrf1)  }
0x3c: {  	v5 =	vld [tilespmem:s31+$0x20];
	(xrf1) =	vunique.msk.u32 $0xffff, v7;
	_, v19, vm3 =	vpop (xrf1)  }
0x3d: {  	v20 =	vcvt.s32.f32 v9;
	v9 =	vld [tilespmem:s31+$0xFFFFFFC0];
	(xrf1) =	vunique.msk.u32 $0xffff, v1;
	_, v21, vm4 =	vpop (xrf1)  }
0x3e: {  	v17 =	vcvt.s32.f32 v17;
	(xrf1) =	vunique.msk.u32 $0xffff, v2;
	_, v22, vm5 =	vpop (xrf1)  }
0x3f: {  	v18 =	vcvt.s32.f32 v18;
	(xrf1) =	vunique.msk.u32 $0xffff, v3;
	[tilespmem:v10+s3+$0x0] =	vst.idx.add.f32.msk vm0, v20;
	_, v10, vm6 =	vpop (xrf1)  }
0x40: {  	v19 =	vcvt.s32.f32 v19;
	(xrf1) =	vunique.msk.u32 $0xffff, v4;
	[tilespmem:v11+s3+$0x0] =	vst.idx.add.f32.msk vm1, v17  }
0x41: {  	(xrf1) =	vunique.msk.u32 $0xffff, v5;
	v11 =	vcvt.s32.f32 v21;
	[tilespmem:v12+s3+$0x0] =	vst.idx.add.f32.msk vm2, v18  }
0x42: {  	v62 =	vcvt.s32.f32 v22;
	(xrf1) =	vunique.msk.u32 $0xffff, v9;
	[tilespmem:v13+s3+$0x0] =	vst.idx.add.f32.msk vm3, v19  }
0x43: {  	v63 =	vcvt.s32.f32 v10;
	[tilespmem:v14+s3+$0x0] =	vst.idx.add.f32.msk vm4, v11  }
0x44: {  	_, v10, vm0 =	vpop (xrf1);
	[tilespmem:v15+s3+$0x0] =	vst.idx.add.f32.msk vm5, v62  }
0x45: {  	s1 =	simm.s32 $0x240;
	s0 =	simm.s32 $0x8;
	v10 =	vcvt.s32.f32 v10;
	[tilespmem:v16+s3+$0x0] =	vst.idx.add.f32.msk vm6, v63  }
.LBB2_4:
0x46: {  	v11 =	vld [tilespmem:s1+$0x30];
	s0 =	sadd.s32 $0x8, s0  }
0x47: {  	v12 =	vld [tilespmem:s1+$0xFFFFFFD0];
	p2 =	slt.u32 s0, $0x4D8  }
0x48: {  	v13 =	vld [tilespmem:s1+$0xFFFFFFE0]  }
0x49: {  	v14 =	vld [tilespmem:s1+$0xFFFFFFF0];
	_, v15, vm2 =	vpop (xrf1)  }
0x4a: {  	v16 =	vld [tilespmem:s1+$0x0];
	_, v17, vm3 =	vpop (xrf1)  }
0x4b: {  	v18 =	vld [tilespmem:s1+$0x10];
	(xrf1) =	vunique.msk.u32 $0xffff, v11;
	v17 =	vcvt.s32.f32 v17;
	_, v19, vm1 =	vpop (xrf1)  }
0x4c: {  	v20 =	vld [tilespmem:s1+$0x20];
	(xrf1) =	vunique.msk.u32 $0xffff, v12;
	v19 =	vcvt.s32.f32 v19;
	_, v21, vm4 =	vpop (xrf1)  }
0x4d: {  	v15 =	vcvt.s32.f32 v15;
	v22 =	vld [tilespmem:s1+$0xFFFFFFC0];
	(xrf1) =	vunique.msk.u32 $0xffff, v13;
	v21 =	vcvt.s32.f32 v21;
	_, v23, vm5 =	vpop (xrf1)  }
0x4e: {  	(xrf1) =	vunique.msk.u32 $0xffff, v14;
	v23 =	vcvt.s32.f32 v23;
	_, v24, vm6 =	vpop (xrf1);
	[tilespmem:v6+s3+$0x0] =	vst.idx.add.f32.msk vm0, v10;
	v6 =	vmov v9  }
0x4f: {  	(xrf1) =	vunique.msk.u32 $0xffff, v16;
	v24 =	vcvt.s32.f32 v24;
	[tilespmem:v8+s3+$0x0] =	vst.idx.add.f32.msk vm2, v15;
	_, v9, vm2 =	vpop (xrf1);
	v8 =	vmov v11  }
0x50: {  	(xrf1) =	vunique.msk.u32 $0xffff, v18;
	[tilespmem:v7+s3+$0x0] =	vst.idx.add.f32.msk vm3, v17;
	v11 =	vcvt.s32.f32 v9;
	_, v9, vm0 =	vpop (xrf1);
	v7 =	vmov v12  }
.Ltmp1:
0x51: {  	(xrf1) =	vunique.msk.u32 $0xffff, v20;
	v10 =	vcvt.s32.f32 v9;
	[tilespmem:v1+s3+$0x0] =	vst.idx.add.f32.msk vm1, v19;
	v1 =	vmov v13;
	(pc) =	sbr.rel @p2 .LBB2_4-.Ltmp1, $4  }
0x52: {  	(xrf1) =	vunique.msk.u32 $0xffff, v22;
	[tilespmem:v2+s3+$0x0] =	vst.idx.add.f32.msk vm4, v21;
	v2 =	vmov v14;
	v9 =	vmov v22  }
0x53: {  	[tilespmem:v3+s3+$0x0] =	vst.idx.add.f32.msk vm5, v23;
	v3 =	vmov v16  }
0x54: {  	[tilespmem:v4+s3+$0x0] =	vst.idx.add.f32.msk vm6, v24;
	v4 =	vmov v18  }
0x55: {  	s1 =	sadd.s32 $0x100, s1;
	[tilespmem:v5+s3+$0x0] =	vst.idx.add.f32.msk vm2, v11;
	v5 =	vmov v20  }
0x56: {  	_ =	sdelay $0x2  }
0x57: {  	_, v11, vm1 =	vpop (xrf1)  }
0x58: {  	_, v12, vm2 =	vpop (xrf1)  }
0x59: {  	_, v13, vm3 =	vpop (xrf1)  }
0x5a: {  	_, v14, vm4 =	vpop (xrf1)  }
0x5b: {  	v11 =	vcvt.s32.f32 v11;
	_, v15, vm5 =	vpop (xrf1)  }
0x5c: {  	[tilespmem:v6+s3+$0x0] =	vst.idx.add.f32.msk vm0, v10;
	v12 =	vcvt.s32.f32 v12;
	_, v16, vm6 =	vpop (xrf1)  }
0x5d: {  	v6 =	vcvt.s32.f32 v13;
	[tilespmem:v8+s3+$0x0] =	vst.idx.add.f32.msk vm1, v11;
	_, v8, vm14 =	vpop (xrf1)  }
0x5e: {  	v10 =	vcvt.s32.f32 v14;
	[tilespmem:v7+s3+$0x0] =	vst.idx.add.f32.msk vm2, v12;
	_, v7, vm15 =	vpop (xrf1)  }
0x5f: {  	v11 =	vcvt.s32.f32 v15;
	[tilespmem:v1+s3+$0x0] =	vst.idx.add.f32.msk vm3, v6  }
0x60: {  	v1 =	vcvt.s32.f32 v16;
	[tilespmem:v2+s3+$0x0] =	vst.idx.add.f32.msk vm4, v10  }
0x61: {  	v2 =	vcvt.s32.f32 v8;
	[tilespmem:v3+s3+$0x0] =	vst.idx.add.f32.msk vm5, v11  }
0x62: {  	v3 =	vcvt.s32.f32 v7;
	[tilespmem:v4+s3+$0x0] =	vst.idx.add.f32.msk vm6, v1  }
0x63: {  	[tilespmem:v5+s3+$0x0] =	vst.idx.add.f32.msk vm14, v2  }
0x64: {  	[tilespmem:v9+s3+$0x0] =	vst.idx.add.f32.msk vm15, v3  }
0x65: {  	v1 =	vld @!p1 [tilespmem:$0x9C00];
	_ =	sdelay $0x4  }
0x66: {  	(xrf1) =	vunique.msk.u32 @!p1 $0xffff, v1;
	_ =	sdelay $0xd  }
0x67: {  	_, v2, vm0 =	vpop @!p1 (xrf1);
	_ =	sdelay $0x3  }
0x68: {  	v2 =	vcvt.s32.f32 @!p1 v2  }
0x69: {  	s0 =	simm.s32 @!p1 $0x9D00  }
0x6a: {  	[tilespmem:v1+s0+$0x0] =	vst.idx.add.f32.msk @!p1 vm0, v2  }
0x6b: {  	v1 =	vld @!p1 [tilespmem:$0x9C10];
	_ =	sdelay $0x4  }
0x6c: {  	(xrf1) =	vunique.msk.u32 @!p1 $0xffff, v1;
	_ =	sdelay $0xd  }
0x6d: {  	_, v2, vm0 =	vpop @!p1 (xrf1);
	_ =	sdelay $0x3  }
0x6e: {  	v2 =	vcvt.s32.f32 @!p1 v2;
	_ =	sdelay $0x1  }
0x6f: {  	[tilespmem:v1+s0+$0x0] =	vst.idx.add.f32.msk @!p1 vm0, v2  }
0x70: {  	v1 =	vld @!p1 [tilespmem:$0x9C20];
	_ =	sdelay $0x4  }
0x71: {  	(xrf1) =	vunique.msk.u32 @!p1 $0xffff, v1;
	_ =	sdelay $0xd  }
0x72: {  	_, v2, vm0 =	vpop @!p1 (xrf1);
	_ =	sdelay $0x3  }
0x73: {  	v2 =	vcvt.s32.f32 @!p1 v2;
	_ =	sdelay $0x1  }
0x74: {  	[tilespmem:v1+s0+$0x0] =	vst.idx.add.f32.msk @!p1 vm0, v2  }
0x75: {  	v1 =	vld @!p1 [tilespmem:$0x9C30];
	_ =	sdelay $0x4  }
0x76: {  	(xrf1) =	vunique.msk.u32 @!p1 $0xffff, v1;
	_ =	sdelay $0xd  }
0x77: {  	_, v2, vm0 =	vpop @!p1 (xrf1);
	_ =	sdelay $0x3  }
0x78: {  	v2 =	vcvt.s32.f32 @!p1 v2;
	_ =	sdelay $0x1  }
0x79: {  	[tilespmem:v1+s0+$0x0] =	vst.idx.add.f32.msk @!p1 vm0, v2  }
0x7a: {  	v1 =	vld @!p1 [tilespmem:$0x9C40];
	_ =	sdelay $0x4  }
0x7b: {  	(xrf1) =	vunique.msk.u32 @!p1 $0xffff, v1;
	_ =	sdelay $0xd  }
0x7c: {  	_, v2, vm0 =	vpop @!p1 (xrf1);
	_ =	sdelay $0x3  }
0x7d: {  	v2 =	vcvt.s32.f32 @!p1 v2;
	_ =	sdelay $0x1  }
0x7e: {  	[tilespmem:v1+s0+$0x0] =	vst.idx.add.f32.msk @!p1 vm0, v2  }
0x7f: {  	v1 =	vld @!p1 [tilespmem:$0x9C50];
	_ =	sdelay $0x4  }
0x80: {  	(xrf1) =	vunique.msk.u32 @!p1 $0xffff, v1;
	_ =	sdelay $0xd  }
0x81: {  	_, v2, vm0 =	vpop @!p1 (xrf1);
	_ =	sdelay $0x3  }
0x82: {  	v2 =	vcvt.s32.f32 @!p1 v2;
	_ =	sdelay $0x1  }
0x83: {  	[tilespmem:v1+s0+$0x0] =	vst.idx.add.f32.msk @!p1 vm0, v2  }
0x84: {  	v1 =	vld @!p1 [tilespmem:$0x9C60];
	_ =	sdelay $0x4  }
0x85: {  	(xrf1) =	vunique.msk.u32 @!p1 $0xffff, v1;
	_ =	sdelay $0xd  }
0x86: {  	_, v2, vm0 =	vpop @!p1 (xrf1);
	_ =	sdelay $0x3  }
0x87: {  	v2 =	vcvt.s32.f32 @!p1 v2;
	_ =	sdelay $0x1  }
0x88: {  	[tilespmem:v1+s0+$0x0] =	vst.idx.add.f32.msk @!p1 vm0, v2  }
0x89: {  	v1 =	vld @!p1 [tilespmem:$0x9C70];
	_ =	sdelay $0x4  }
0x8a: {  	(xrf1) =	vunique.msk.u32 @!p1 $0xffff, v1;
	_ =	sdelay $0xd  }
0x8b: {  	_, v2, vm0 =	vpop @!p1 (xrf1);
	_ =	sdelay $0x3  }
0x8c: {  	v2 =	vcvt.s32.f32 @!p1 v2;
	_ =	sdelay $0x1  }
0x8d: {  	s29 =	rddreg [dreg:$0xc];
	[tilespmem:v1+s0+$0x0] =	vst.idx.add.f32.msk @!p1 vm0, v2  }
0x8e: {  	[spmem:s29] =	stream.strided.scatter [tilespmem:s3], [sflag:$0x2], $0x2800, s6, s5, $0x38;
	[tilespmem:$0x13F00] =	vst v63  }
0x8f: {  	_ =	swait.ge [sflag:s7], $0x2800  }
0x90: {  	[sflag:s7] =	ssyncset.done $0x0  }
0x91: {  	s30 =	simm.s32 $0x1400;
	s1 =	simm.s32 $0x14000;
	[sflag:s7] =	ssyncadd.s32 $0xFFFFD800  }
0x92: {  	s2 =	simm.s32 $0xC780;
	s25 =	simm.s32 $0x0;
	[bflag:$0x0] =	sbarrier.arrive $0xFFFF  }
0x93: {  	[tilespmem:s2], [sflag:$0x2] =	stream.strided.gather [spmem:s4], $0x2800, s1, s30, $0x38;
	[tilespmem:$0x13F00] =	vst v63  }
0x94: {  	s31 =	sand.u32 $0x1C00, s25;
	s0 =	sand.u32 $0x40, s25;
	_ =	swait.ge [sflag:s7], $0x2800  }
0x95: {  	s3 =	sadd.s32 $0xC780, s31;
	s24 =	sor.u32 $0x30, s0;
	[sflag:s7] =	ssyncset.done $0x0  }
0x96: {  	s4 =	sor.u32 s24, s3;
	[sflag:s7] =	ssyncadd.s32 $0xFFFFD800  }
0x97: {  	v10 =	vld [tilespmem:s4+$0x0]  }
0x98: {  	s5 =	sor.u32 s0, s3;
	v11 =	vld [tilespmem:s4+$0x80]  }
0x99: {  	v12 =	vld [tilespmem:s5+$0x0]  }
0x9a: {  	v13 =	vld [tilespmem:s4+$0x100]  }
0x9b: {  	s26 =	sor.u32 $0x10, s0;
	v14 =	vld [tilespmem:s5+$0x80]  }
0x9c: {  	s6 =	sor.u32 s26, s3;
	v15 =	vld [tilespmem:s4+$0x180]  }
0x9d: {  	v16 =	vld [tilespmem:s6+$0x0]  }
0x9e: {  	v17 =	vld [tilespmem:s4+$0x200]  }
0x9f: {  	s28 =	sor.u32 $0x20, s0;
	v18 =	vld [tilespmem:s6+$0x80]  }
0xa0: {  	s2 =	sor.u32 s28, s3;
	v19 =	vld [tilespmem:s4+$0x280]  }
0xa1: {  	v20 =	vld [tilespmem:s2+$0x0]  }
0xa2: {  	v21 =	vld [tilespmem:s4+$0x300]  }
0xa3: {  	v22 =	vld [tilespmem:s2+$0x80]  }
0xa4: {  	v9 =	vld [tilespmem:s4+$0x380]  }
0xa5: {  	s13 =	sadd.s32 $0xDC00, s31;
	v23 =	vld [tilespmem:s5+$0x100]  }
0xa6: {  	s14 =	sor.u32 s24, s13;
	v24 =	vld [tilespmem:s6+$0x100]  }
0xa7: {  	s8 =	sadd.s32 $0xDC80, s31;
	v4 =	vld [tilespmem:s14+$0x0]  }
0xa8: {  	s15 =	sor.u32 s24, s8;
	v25 =	vld [tilespmem:s2+$0x100]  }
0xa9: {  	s11 =	sadd.s32 $0xDE00, s31;
	v7 =	vld [tilespmem:s15+$0x0]  }
0xaa: {  	s9 =	sadd.s32 $0xDD00, s31;
	s18 =	sor.u32 s24, s11;
	v26 =	vld [tilespmem:s5+$0x180]  }
0xab: {  	s16 =	sor.u32 s24, s9;
	v1 =	vld [tilespmem:s18+$0x0]  }
0xac: {  	s10 =	sadd.s32 $0xDD80, s31;
	v6 =	vld [tilespmem:s16+$0x0]  }
0xad: {  	s17 =	sor.u32 s24, s10;
	s7 =	sadd.s32 $0xDB80, s31;
	v27 =	vld [tilespmem:s6+$0x180]  }
0xae: {  	s12 =	sor.u32 s24, s7;
	v5 =	vld [tilespmem:s17+$0x0]  }
0xaf: {  	v8 =	vld [tilespmem:s12+$0x0];
	s12 =	sadd.s32 $0xDE80, s31  }
0xb0: {  	v28 =	vld [tilespmem:s2+$0x180];
	s19 =	sor.u32 s24, s12;
	[tilespmem:$0x1FFD0] =	vst v1  }
0xb1: {  	v1 =	vld [tilespmem:s19+$0x0];
	_ =	sdelay $0x3  }
0xb2: {  	s1 =	sadd.s32 $0xDF00, s31  }
0xb3: {  	s20 =	sor.u32 s24, s1;
	v29 =	vld [tilespmem:s5+$0x200];
	[tilespmem:$0x1FFE0] =	vst v1  }
0xb4: {  	v1 =	vld [tilespmem:s20+$0x0];
	_ =	sdelay $0x4  }
0xb5: {  	v30 =	vld [tilespmem:s6+$0x200];
	[tilespmem:$0x1FFF0] =	vst v1  }
0xb6: {  	v31 =	vld [tilespmem:s2+$0x200]  }
0xb7: {  	v32 =	vld [tilespmem:s5+$0x280]  }
0xb8: {  	v33 =	vld [tilespmem:s6+$0x280]  }
0xb9: {  	v34 =	vld [tilespmem:s2+$0x280]  }
0xba: {  	v35 =	vld [tilespmem:s5+$0x300]  }
0xbb: {  	v36 =	vld [tilespmem:s6+$0x300]  }
0xbc: {  	v37 =	vld [tilespmem:s2+$0x300]  }
0xbd: {  	v38 =	vld [tilespmem:s5+$0x380]  }
0xbe: {  	v39 =	vld [tilespmem:s6+$0x380]  }
0xbf: {  	s21 =	sor.u32 s0, s7;
	v40 =	vld [tilespmem:s2+$0x380]  }
0xc0: {  	s22 =	sor.u32 s26, s7;
	v41 =	vld [tilespmem:s21+$0x0]  }
0xc1: {  	s23 =	sor.u32 s28, s7;
	v42 =	vld [tilespmem:s22+$0x0]  }
0xc2: {  	s29 =	sor.u32 s0, s13;
	v43 =	vld [tilespmem:s23+$0x0]  }
0xc3: {  	s30 =	sor.u32 s26, s13;
	v44 =	vld [tilespmem:s29+$0x0]  }
0xc4: {  	s31 =	sor.u32 s28, s13;
	v45 =	vld [tilespmem:s30+$0x0]  }
0xc5: {  	s4 =	sor.u32 s0, s8;
	v46 =	vld [tilespmem:s31+$0x0]  }
0xc6: {  	s7 =	sor.u32 s0, s9;
	v47 =	vld [tilespmem:s4+$0x0]  }
0xc7: {  	s13 =	sor.u32 s0, s10;
	v50 =	vld [tilespmem:s7+$0x0]  }
0xc8: {  	s14 =	sor.u32 s26, s10;
	v53 =	vld [tilespmem:s13+$0x0]  }
0xc9: {  	s15 =	sor.u32 s28, s10;
	v54 =	vld [tilespmem:s14+$0x0]  }
0xca: {  	s16 =	sor.u32 s0, s11;
	v55 =	vld [tilespmem:s15+$0x0]  }
0xcb: {  	s17 =	sor.u32 s26, s11;
	v56 =	vld [tilespmem:s16+$0x0]  }
0xcc: {  	s18 =	sor.u32 s28, s11;
	v57 =	vld [tilespmem:s17+$0x0]  }
0xcd: {  	s19 =	sor.u32 s0, s12;
	v58 =	vld [tilespmem:s18+$0x0]  }
0xce: {  	v10 =	vadd.f32 v11, v10;
	s20 =	sor.u32 s26, s12;
	v59 =	vld [tilespmem:s19+$0x0]  }
0xcf: {  	s0 =	sor.u32 s0, s1;
	v60 =	vld [tilespmem:s20+$0x0]  }
0xd0: {  	v10 =	vadd.f32 v13, v10;
	s5 =	sor.u32 s26, s8;
	v62 =	vld [tilespmem:s0+$0x0]  }
0xd1: {  	s6 =	sor.u32 s28, s8;
	v48 =	vld [tilespmem:s5+$0x0]  }
0xd2: {  	v10 =	vadd.f32 v15, v10;
	s8 =	sor.u32 s26, s9;
	v49 =	vld [tilespmem:s6+$0x0]  }
0xd3: {  	s9 =	sor.u32 s28, s9;
	v51 =	vld [tilespmem:s8+$0x0]  }
0xd4: {  	v10 =	vadd.f32 v17, v10;
	s21 =	sor.u32 s28, s12;
	s22 =	simm.s32 $0x200;
	v52 =	vld [tilespmem:s9+$0x0]  }
0xd5: {  	s23 =	sor.u32 s26, s1;
	v61 =	vld [tilespmem:s21+$0x0];
	s9 =	simm.s32 $0x40;
	s31 =	sand.u32 $0x1C00, s22  }
0xd6: {  	v16 =	vadd.f32 v18, v16;
	v10 =	vadd.f32 v19, v10;
	s2 =	sor.u32 s28, s1;
	v63 =	vld [tilespmem:s23+$0x0];
	s30 =	sand.u32 $0x40, s9;
	s4 =	sadd.s32 $0xC780, s31  }
0xd7: {  	v19 =	vadd.f32 v22, v20;
	v3 =	vld [tilespmem:s2+$0x0];
	s22 =	sor.u32 s30, s4  }
0xd8: {  	v16 =	vadd.f32 v24, v16;
	v10 =	vadd.f32 v21, v10;
	v2 =	vld [tilespmem:s22+$0x0]  }
0xd9: {  	v19 =	vadd.f32 v25, v19;
	v25 =	vld [tilespmem:s22+$0x80]  }
0xda: {  	v9 =	vadd.f32 v9, v10;
	v10 =	vadd.f32 v27, v16;
	s29 =	sor.u32 $0x30, s30;
	v27 =	vld [tilespmem:s22+$0x100]  }
0xdb: {  	v19 =	vadd.f32 v28, v19;
	s21 =	sor.u32 s29, s4;
	v28 =	vld [tilespmem:s22+$0x180]  }
0xdc: {  	v11 =	vld [tilespmem:s21+$0x0]  }
0xdd: {  	v13 =	vld [tilespmem:s21+$0x80]  }
0xde: {  	v15 =	vld [tilespmem:s21+$0x100]  }
0xdf: {  	v1 =	vld [tilespmem:s21+$0x180]  }
0xe0: {  	v12 =	vadd.f32 v14, v12;
	v17 =	vld [tilespmem:s21+$0x200]  }
0xe1: {  	v14 =	vld [tilespmem:s21+$0x280]  }
0xe2: {  	v12 =	vadd.f32 v23, v12;
	s23 =	sadd.s32 $0xDB80, s31;
	v18 =	vld [tilespmem:s21+$0x300]  }
0xe3: {  	s8 =	sadd.s32 $0xDC00, s31;
	s3 =	sor.u32 s29, s23;
	v20 =	vld [tilespmem:s21+$0x380]  }
0xe4: {  	v12 =	vadd.f32 v26, v12;
	s11 =	sadd.s32 $0xDC80, s31;
	s10 =	sor.u32 s29, s8;
	v21 =	vld [tilespmem:s3+$0x0]  }
0xe5: {  	s19 =	sadd.s32 $0xDD00, s31;
	s12 =	sor.u32 s29, s11;
	v22 =	vld [tilespmem:s10+$0x0]  }
0xe6: {  	v29 =	vadd.f32 v29, v12;
	s18 =	sadd.s32 $0xDD80, s31;
	s13 =	sor.u32 s29, s19;
	v16 =	vld [tilespmem:s12+$0x0]  }
0xe7: {  	v8 =	vadd.f32 v8, v9;
	v30 =	vadd.f32 v30, v10;
	s17 =	sadd.s32 $0xDE00, s31;
	s14 =	sor.u32 s29, s18;
	v12 =	vld [tilespmem:s13+$0x0]  }
0xe8: {  	s2 =	sadd.s32 $0xDE80, s31;
	s15 =	sor.u32 s29, s17;
	v10 =	vld [tilespmem:s14+$0x0];
	v19 =	vadd.f32 v31, v19;
	v23 =	vadd.f32 v32, v29  }
0xe9: {  	s31 =	sadd.s32 $0xDF00, s31;
	s16 =	sor.u32 s29, s2;
	v9 =	vld [tilespmem:s15+$0x0];
	v32 =	vadd.f32 v4, v8;
	v24 =	vadd.f32 v33, v30  }
0xea: {  	s0 =	sor.u32 $0x10, s30;
	s7 =	sor.u32 s29, s31;
	v8 =	vld [tilespmem:s16+$0x0];
	v19 =	vadd.f32 v34, v19;
	v23 =	vadd.f32 v35, v23  }
0xeb: {  	s20 =	sor.u32 s0, s4;
	v4 =	vld [tilespmem:s7+$0x0];
	v7 =	vadd.f32 v7, v32;
	v24 =	vadd.f32 v36, v24  }
0xec: {  	v26 =	vld [tilespmem:s20+$0x0];
	v19 =	vadd.f32 v37, v19;
	v23 =	vadd.f32 v38, v23  }
0xed: {  	v29 =	vld [tilespmem:s20+$0x180];
	v6 =	vadd.f32 v6, v7;
	v7 =	vadd.f32 v39, v24  }
0xee: {  	v30 =	vld [tilespmem:s22+$0x200];
	v2 =	vadd.f32 v25, v2;
	v11 =	vadd.f32 v13, v11  }
0xef: {  	v37 =	vld [tilespmem:$0x1FFD0];
	v19 =	vadd.f32 v40, v19;
	v23 =	vadd.f32 v41, v23  }
0xf0: {  	v24 =	vld [tilespmem:s20+$0x80];
	v5 =	vadd.f32 v5, v6;
	v6 =	vadd.f32 v42, v7  }
0xf1: {  	v31 =	vld [tilespmem:s20+$0x200];
	v2 =	vadd.f32 v27, v2;
	v11 =	vadd.f32 v15, v11  }
0xf2: {  	v38 =	vld [tilespmem:$0x1FFE0];
	v19 =	vadd.f32 v43, v19;
	v23 =	vadd.f32 v44, v23  }
0xf3: {  	v33 =	vld [tilespmem:s20+$0x280];
	v6 =	vadd.f32 v45, v6;
	v2 =	vadd.f32 v28, v2  }
0xf4: {  	v7 =	vld [tilespmem:s20+$0x100];
	v5 =	vadd.f32 v37, v5;
	v1 =	vadd.f32 v1, v11  }
0xf5: {  	v32 =	vld [tilespmem:s22+$0x280];
	v24 =	vadd.f32 v24, v26;
	v19 =	vadd.f32 v46, v19  }
0xf6: {  	v39 =	vld [tilespmem:$0x1FFF0];
	v23 =	vadd.f32 v47, v23;
	v6 =	vadd.f32 v48, v6  }
0xf7: {  	s5 =	sor.u32 $0x20, s30;
	v40 =	vld [tilespmem:s22+$0x300];
	v2 =	vadd.f32 v30, v2;
	v5 =	vadd.f32 v38, v5  }
0xf8: {  	s6 =	sor.u32 s5, s4;
	v41 =	vld [tilespmem:s22+$0x380];
	v1 =	vadd.f32 v17, v1;
	v19 =	vadd.f32 v49, v19  }
0xf9: {  	v11 =	vld [tilespmem:s6+$0x80];
	v7 =	vadd.f32 v7, v24;
	v23 =	vadd.f32 v50, v23  }
0xfa: {  	v46 =	vld [tilespmem:s6+$0x0];
	v6 =	vadd.f32 v51, v6;
	v19 =	vadd.f32 v52, v19  }
0xfb: {  	v42 =	vld [tilespmem:s20+$0x300];
	v2 =	vadd.f32 v32, v2;
	v5 =	vadd.f32 v39, v5  }
0xfc: {  	v43 =	vld [tilespmem:s20+$0x380];
	v1 =	vadd.f32 v14, v1;
	v19 =	vadd.f32 v55, v19  }
0xfd: {  	v47 =	vld [tilespmem:s6+$0x100];
	v7 =	vadd.f32 v29, v7;
	v23 =	vadd.f32 v53, v23  }
0xfe: {  	v48 =	vld [tilespmem:s6+$0x180];
	v6 =	vadd.f32 v54, v6;
	v44 =	vadd.f32 v58, v19  }
0xff: {  	v49 =	vld [tilespmem:s6+$0x280];
	v2 =	vadd.f32 v40, v2;
	v11 =	vadd.f32 v11, v46  }
0x100: {  	v50 =	vld [tilespmem:s6+$0x300];
	v1 =	vadd.f32 v18, v1;
	v15 =	vadd.f32 v61, v44  }
0x101: {  	v51 =	vld [tilespmem:s6+$0x380];
	v7 =	vadd.f32 v31, v7;
	v23 =	vadd.f32 v56, v23  }
0x102: {  	s21 =	sor.u32 s30, s23;
	v1 =	vadd.f32 v20, v1;
	v15 =	vadd.f32 v3, v15;
	v3 =	vld [tilespmem:s6+$0x200]  }
0x103: {  	s22 =	sor.u32 s0, s23;
	v52 =	vld [tilespmem:s21+$0x0];
	v6 =	vadd.f32 v57, v6;
	v11 =	vadd.f32 v47, v11  }
0x104: {  	s4 =	sor.u32 s5, s23;
	v53 =	vld [tilespmem:s22+$0x0];
	v2 =	vadd.f32 v41, v2;
	v1 =	vadd.f32 v21, v1  }
0x105: {  	s23 =	sor.u32 s30, s8;
	v54 =	vld [tilespmem:s4+$0x0];
	v7 =	vadd.f32 v33, v7;
	v11 =	vadd.f32 v48, v11  }
0x106: {  	s7 =	sor.u32 s30, s11;
	v55 =	vld [tilespmem:s23+$0x0];
	v45 =	vadd.f32 v59, v23;
	v1 =	vadd.f32 v22, v1  }
0x107: {  	s1 =	sor.u32 s5, s11;
	v57 =	vld [tilespmem:s7+$0x0];
	v6 =	vadd.f32 v60, v6;
	v3 =	vadd.f32 v3, v11  }
0x108: {  	v59 =	vld [tilespmem:s1+$0x0];
	v7 =	vadd.f32 v42, v7;
	s6 =	sor.u32 s0, s8;
	v1 =	vadd.f32 v16, v1  }
0x109: {  	s10 =	sor.u32 s30, s19;
	v2 =	vadd.f32 v52, v2;
	v56 =	vld [tilespmem:s6+$0x0];
	v3 =	vadd.f32 v49, v3  }
0x10a: {  	s3 =	sor.u32 s5, s8;
	v60 =	vld [tilespmem:s10+$0x0];
	v7 =	vadd.f32 v43, v7;
	s8 =	sor.u32 s0, s11;
	v1 =	vadd.f32 v12, v1  }
0x10b: {  	v19 =	vadd.f32 v62, v45;
	v58 =	vld [tilespmem:s8+$0x0];
	v3 =	vadd.f32 v50, v3  }
0x10c: {  	s11 =	sor.u32 s0, s19;
	v7 =	vadd.f32 v53, v7;
	v11 =	vld [tilespmem:s3+$0x0];
	v1 =	vadd.f32 v10, v1  }
0x10d: {  	s13 =	sor.u32 s30, s18;
	v6 =	vadd.f32 v63, v6;
	v61 =	vld [tilespmem:s11+$0x0];
	v3 =	vadd.f32 v51, v3  }
0x10e: {  	s15 =	sor.u32 s0, s18;
	v62 =	vld [tilespmem:s13+$0x0];
	v7 =	vadd.f32 v56, v7;
	v1 =	vadd.f32 v9, v1  }
0x10f: {  	s12 =	sor.u32 s5, s19;
	s14 =	sand.u32 $0x380, s25;
	v63 =	vld [tilespmem:s15+$0x0];
	v2 =	vadd.f32 v55, v2;
	v3 =	vadd.f32 v54, v3  }
0x110: {  	s18 =	sor.u32 s5, s18;
	s16 =	sadd.s32 $0xC500, s14;
	v10 =	vld [tilespmem:s12+$0x0];
	v7 =	vadd.f32 v58, v7;
	v8 =	vadd.f32 v8, v1  }
0x111: {  	s25 =	sor.u32 s30, s2;
	s21 =	sor.u32 s30, s17;
	s19 =	sor.u32 s26, s16;
	v2 =	vadd.f32 v57, v2;
	v9 =	vld [tilespmem:s18+$0x0];
	v3 =	vadd.f32 v11, v3  }
0x112: {  	s20 =	sor.u32 s28, s16;
	s28 =	simm.s32 $0x80;
	s1 =	sor.u32 s24, s16;
	[tilespmem:s19+$0x0] =	vst v6;
	v6 =	vadd.f32 v4, v8;
	v4 =	vadd.f32 v61, v7;
	v11 =	vld [tilespmem:s21+$0x0]  }
0x113: {  	s22 =	sor.u32 s0, s17;
	s23 =	sor.u32 s5, s17;
	s24 =	simm.s32 $0xC500;
	[tilespmem:s1+$0x0] =	vst v5;
	v12 =	vadd.f32 v60, v2;
	v2 =	vld [tilespmem:s25+$0x0];
	v5 =	vadd.f32 v59, v3  }
0x114: {  	s26 =	sor.u32 s0, s2;
	v1 =	vld [tilespmem:s22+$0x0];
	v8 =	vadd.f32 v63, v4;
	s21 =	sor.u32 s30, s31;
	s30 =	sand.u32 $0x380, s9  }
0x115: {  	s2 =	sor.u32 s5, s2;
	[tilespmem:s20+$0x0] =	vst v15;
	s20 =	sor.u32 s5, s31;
	v4 =	vld [tilespmem:s26+$0x0];
	s1 =	sadd.s32 $0xC500, s30;
	v5 =	vadd.f32 v10, v5;
	v10 =	vadd.f32 v62, v12  }
0x116: {  	[tilespmem:s24+$0x0] =	vst v19;
	s25 =	simm.s32 $0x4;
	s3 =	sor.u32 s0, s31;
	v3 =	vld [tilespmem:s23+$0x0];
	s31 =	sor.u32 s29, s1  }
0x117: {  	s26 =	simm.s32 $0x400;
	s19 =	sor.u32 s0, s1;
	s18 =	sor.u32 s5, s1;
	[tilespmem:s31+$0x0] =	vst v6;
	v7 =	vadd.f32 v9, v5;
	v6 =	vadd.f32 v11, v10;
	v5 =	vld [tilespmem:s2+$0x0]  }
.LBB2_6:
0x118: {  	s1 =	sand.u32 $0x40, s28;
	s4 =	sand.u32 $0x1C00, s26;
	v9 =	vld [tilespmem:s21+$0x0]  }
0x119: {  	s2 =	sadd.s32 $0xC780, s4;
	s29 =	sor.u32 $0x30, s1;
	v1 =	vadd.f32 v1, v8;
	v8 =	vld [tilespmem:s3+$0x0]  }
0x11a: {  	s15 =	sor.u32 s29, s2;
	v2 =	vadd.f32 v2, v6;
	v6 =	vld [tilespmem:s20+$0x0]  }
0x11b: {  	v3 =	vadd.f32 v3, v7;
	v7 =	vld [tilespmem:s15+$0x0]  }
0x11c: {  	s17 =	sor.u32 s1, s2;
	v1 =	vadd.f32 v4, v1;
	v4 =	vld [tilespmem:s15+$0x80]  }
0x11d: {  	v3 =	vadd.f32 v5, v3;
	v5 =	vld [tilespmem:s17+$0x0];
	v2 =	vadd.f32 v9, v2  }
0x11e: {  	s24 =	sadd.s32 $0x40, s24;
	v9 =	vld [tilespmem:s15+$0x100]  }
0x11f: {  	v1 =	vadd.f32 v8, v1;
	v8 =	vld [tilespmem:s17+$0x80];
	[tilespmem:s24+$0x0] =	vst v2;
	v2 =	vadd.f32 v6, v3  }
0x120: {  	v3 =	vld [tilespmem:s15+$0x180]  }
0x121: {  	s30 =	sor.u32 $0x10, s1;
	[tilespmem:s18+$0x0] =	vst v2;
	v2 =	vld [tilespmem:s15+$0x200]  }
0x122: {  	s0 =	sor.u32 s30, s2;
	[tilespmem:s19+$0x0] =	vst v1;
	v4 =	vadd.f32 v4, v7;
	v7 =	vld [tilespmem:s15+$0x280]  }
0x123: {  	v1 =	vld [tilespmem:s0+$0x0]  }
0x124: {  	s31 =	sor.u32 $0x20, s1;
	v6 =	vld [tilespmem:s0+$0x80]  }
0x125: {  	s2 =	sor.u32 s31, s2;
	v10 =	vld [tilespmem:s0+$0x100];
	v4 =	vadd.f32 v9, v4  }
0x126: {  	v9 =	vld [tilespmem:s2+$0x80]  }
0x127: {  	v5 =	vadd.f32 v8, v5;
	v8 =	vld [tilespmem:s2+$0x0];
	v3 =	vadd.f32 v3, v4  }
0x128: {  	v4 =	vld [tilespmem:s15+$0x300]  }
0x129: {  	s5 =	sadd.s32 $0xDB80, s4;
	v2 =	vadd.f32 v2, v3;
	v3 =	vld [tilespmem:s15+$0x380]  }
0x12a: {  	s19 =	sor.u32 s29, s5;
	v1 =	vadd.f32 v6, v1;
	v6 =	vld [tilespmem:s17+$0x100]  }
0x12b: {  	s6 =	sadd.s32 $0xDC00, s4;
	v2 =	vadd.f32 v7, v2;
	v7 =	vld [tilespmem:s19+$0x0]  }
0x12c: {  	s23 =	sadd.s32 $0xDC80, s4;
	s8 =	sadd.s32 $0xDD00, s4;
	s10 =	sadd.s32 $0xDD80, s4;
	v1 =	vadd.f32 v10, v1;
	v10 =	vld [tilespmem:s0+$0x180]  }
0x12d: {  	s16 =	sor.u32 s1, s5;
	s21 =	sor.u32 s30, s6;
	s22 =	sor.u32 s29, s6;
	v2 =	vadd.f32 v4, v2;
	v4 =	vadd.f32 v9, v8;
	v9 =	vld [tilespmem:s2+$0x100]  }
0x12e: {  	s14 =	sor.u32 s31, s6;
	s7 =	sor.u32 s29, s23;
	s12 =	sor.u32 s30, s8;
	v8 =	vld [tilespmem:s22+$0x0]  }
0x12f: {  	s9 =	sor.u32 s29, s8;
	s13 =	sor.u32 s31, s8;
	[dreg:$0x7] =	wrdreg s16;
	v2 =	vadd.f32 v3, v2;
	v3 =	vadd.f32 v6, v5;
	v6 =	vld [tilespmem:s17+$0x180]  }
0x130: {  	s11 =	sor.u32 s30, s10;
	[dreg:$0x5] =	wrdreg s21;
	s20 =	sor.u32 s1, s6;
	v5 =	vld [tilespmem:s7+$0x0]  }
0x131: {  	s16 =	sor.u32 s1, s8;
	[dreg:$0x8] =	wrdreg s20;
	s18 =	sor.u32 s30, s5;
	v2 =	vadd.f32 v7, v2;
	v7 =	vld [tilespmem:s9+$0x0]  }
0x132: {  	s6 =	sor.u32 s30, s23;
	[dreg:$0x4] =	wrdreg s18;
	s18 =	sor.u32 s29, s10;
	v4 =	vadd.f32 v9, v4;
	v9 =	vld [tilespmem:s2+$0x180]  }
0x133: {  	s21 =	sadd.s32 $0xDE80, s4;
	[dreg:$0x9] =	wrdreg s6;
	s19 =	sadd.s32 $0xDE00, s4;
	v2 =	vadd.f32 v8, v2;
	v8 =	vld [tilespmem:s18+$0x0]  }
0x134: {  	s15 =	sor.u32 s1, s23;
	s8 =	sor.u32 s1, s19;
	s20 =	sor.u32 s29, s19;
	v3 =	vadd.f32 v6, v3;
	v6 =	vld [tilespmem:s17+$0x200]  }
0x135: {  	s6 =	sor.u32 s31, s19;
	s22 =	sor.u32 s31, s23;
	s23 =	sor.u32 s1, s10;
	v1 =	vadd.f32 v10, v1;
	v10 =	vld [tilespmem:s0+$0x200];
	v2 =	vadd.f32 v5, v2  }
0x136: {  	s9 =	sor.u32 s31, s10;
	s10 =	sor.u32 s30, s19;
	s19 =	sor.u32 s29, s21;
	v5 =	vld [tilespmem:s20+$0x0]  }
0x137: {  	v2 =	vadd.f32 v7, v2;
	v7 =	vld [tilespmem:s19+$0x0]  }
0x138: {  	s20 =	sadd.s32 $0xDF00, s4;
	v4 =	vadd.f32 v9, v4;
	v9 =	vld [tilespmem:s2+$0x200]  }
0x139: {  	s18 =	sor.u32 s29, s20;
	v2 =	vadd.f32 v8, v2;
	v3 =	vadd.f32 v6, v3;
	v6 =	vld [tilespmem:s0+$0x280]  }
0x13a: {  	v8 =	vld [tilespmem:s18+$0x0]  }
0x13b: {  	v2 =	vadd.f32 v5, v2;
	v5 =	vld [tilespmem:s17+$0x280]  }
0x13c: {  	s5 =	sor.u32 s31, s5;
	v1 =	vadd.f32 v10, v1;
	v10 =	vld [tilespmem:s17+$0x300]  }
0x13d: {  	[dreg:$0x6] =	wrdreg s5;
	v2 =	vadd.f32 v7, v2;
	v7 =	vld [tilespmem:s2+$0x280]  }
0x13e: {  	s5 =	sor.u32 s1, s21;
	s7 =	sor.u32 s30, s21;
	s19 =	sand.u32 $0x380, s28;
	v1 =	vadd.f32 v6, v1;
	v6 =	vld [tilespmem:s0+$0x380]  }
0x13f: {  	s4 =	sor.u32 s31, s21;
	s21 =	sor.u32 s1, s20;
	s1 =	sadd.s32 $0xC500, s19;
	v2 =	vadd.f32 v8, v2;
	v8 =	vld [tilespmem:s0+$0x300]  }
0x140: {  	s19 =	sor.u32 s30, s1;
	s18 =	sor.u32 s31, s1;
	s1 =	sor.u32 s29, s1;
	v4 =	vadd.f32 v9, v4;
	v3 =	vadd.f32 v5, v3;
	v5 =	vld [tilespmem:s2+$0x300]  }
0x141: {  	[tilespmem:s1+$0x0] =	vst v2;
	v2 =	vld [tilespmem:s17+$0x380]  }
0x142: {  	s1 =	rddreg [dreg:$0x7];
	v4 =	vadd.f32 v7, v4;
	v7 =	vld [tilespmem:s2+$0x380]  }
0x143: {  	v9 =	vld [tilespmem:s1+$0x0]  }
0x144: {  	v3 =	vadd.f32 v10, v3;
	s2 =	rddreg [dreg:$0x4];
	v10 =	vld [tilespmem:s8+$0x0]  }
0x145: {  	s29 =	rddreg [dreg:$0x8];
	v1 =	vadd.f32 v8, v1;
	v8 =	vld [tilespmem:s2+$0x0]  }
0x146: {  	s17 =	rddreg [dreg:$0x6];
	v4 =	vadd.f32 v5, v4;
	v5 =	vld [tilespmem:s29+$0x0]  }
0x147: {  	s3 =	sor.u32 s30, s20;
	s30 =	rddreg [dreg:$0x5];
	v2 =	vadd.f32 v2, v3;
	v3 =	vld [tilespmem:s17+$0x0]  }
0x148: {  	v1 =	vadd.f32 v6, v1;
	v6 =	vld [tilespmem:s30+$0x0]  }
0x149: {  	v4 =	vadd.f32 v7, v4;
	v7 =	vld [tilespmem:s14+$0x0]  }
0x14a: {  	s20 =	sor.u32 s31, s20;
	s31 =	rddreg [dreg:$0x9];
	v2 =	vadd.f32 v9, v2;
	v9 =	vld [tilespmem:s15+$0x0]  }
0x14b: {  	v1 =	vadd.f32 v8, v1;
	v8 =	vld [tilespmem:s31+$0x0]  }
0x14c: {  	v2 =	vadd.f32 v5, v2;
	v5 =	vld [tilespmem:s16+$0x0]  }
0x14d: {  	v3 =	vadd.f32 v3, v4;
	v4 =	vld [tilespmem:s22+$0x0]  }
0x14e: {  	v1 =	vadd.f32 v6, v1;
	v6 =	vld [tilespmem:s12+$0x0]  }
0x14f: {  	v3 =	vadd.f32 v7, v3;
	v7 =	vld [tilespmem:s13+$0x0]  }
0x150: {  	v2 =	vadd.f32 v9, v2;
	v9 =	vld [tilespmem:s23+$0x0]  }
0x151: {  	s25 =	sadd.s32 $0x4, s25;
	v1 =	vadd.f32 v8, v1;
	v8 =	vld [tilespmem:s11+$0x0]  }
0x152: {  	p2 =	slt.u32 s25, $0x24;
	v2 =	vadd.f32 v5, v2;
	v5 =	vld [tilespmem:s9+$0x0];
	v3 =	vadd.f32 v4, v3  }
.Ltmp2:
0x153: {  	v4 =	vadd.f32 v6, v1;
	v1 =	vld [tilespmem:s10+$0x0];
	(pc) =	sbr.rel @p2 .LBB2_6-.Ltmp2, $4  }
0x154: {  	v6 =	vadd.f32 v7, v3;
	v3 =	vld [tilespmem:s6+$0x0]  }
0x155: {  	v9 =	vadd.f32 v9, v2;
	v2 =	vld [tilespmem:s5+$0x0]  }
0x156: {  	v8 =	vadd.f32 v8, v4;
	v4 =	vld [tilespmem:s7+$0x0]  }
0x157: {  	s26 =	sadd.s32 $0x200, s26;
	s28 =	sadd.s32 $0x40, s28;
	v7 =	vadd.f32 v5, v6;
	v6 =	vadd.f32 v10, v9;
	v5 =	vld [tilespmem:s4+$0x0]  }
0x158: {  	v9 =	vld [tilespmem:s21+$0x0]  }
0x159: {  	v10 =	vld [tilespmem:s3+$0x0]  }
0x15a: {  	v1 =	vadd.f32 v1, v8;
	v63 =	vld [tilespmem:s20+$0x0]  }
0x15b: {  	v3 =	vadd.f32 v3, v7;
	v2 =	vadd.f32 v2, v6  }
0x15c: {  	v1 =	vadd.f32 v4, v1  }
0x15d: {  	v3 =	vadd.f32 v5, v3;
	v2 =	vadd.f32 v9, v2  }
0x15e: {  	s0 =	sadd.s32 $0x40, s24;
	v1 =	vadd.f32 v10, v1  }
0x15f: {  	[tilespmem:s0+$0x0] =	vst v2;
	v2 =	vadd.f32 v63, v3  }
0x160: {  	[tilespmem:s19+$0x0] =	vst v1  }
0x161: {  	s10 =	simm.s32 $0x0;
	s1 =	simm.s32 $0x40;
	s0 =	simm.s32 $0x0;
	[tilespmem:s18+$0x0] =	vst v2  }
.LBB2_8:
0x162: {  	p2 =	sne.s32 s1, $0x9C0;
	v1 =	vld [tilespmem:s0+$0xC500];
	_ =	sdelay $0x4  }
0x163: {  	v2 =	vmax.f32 v1, $1.000000000e+00  }
0x164: {  	v3 =	vshra.s32 v2, $0x1;
	v2 =	vmul.f32 $5.000000000e-01, v2  }
0x165: {  	v3 =	vsub.s32 $0x5F3759DF, v3  }
0x166: {  	v4 =	vmul.f32 v3, v2;
	_ =	sdelay $0x1  }
0x167: {  	v4 =	vmul.f32 v3, v4;
	_ =	sdelay $0x1  }
0x168: {  	v4 =	vsub.f32 $1.500000000e+00, v4;
	_ =	sdelay $0x1  }
0x169: {  	v3 =	vmul.f32 v3, v4;
	_ =	sdelay $0x1  }
0x16a: {  	v4 =	vmul.f32 v3, v2;
	_ =	sdelay $0x1  }
0x16b: {  	v4 =	vmul.f32 v4, v3;
	_ =	sdelay $0x1  }
0x16c: {  	v4 =	vsub.f32 $1.500000000e+00, v4;
	_ =	sdelay $0x1  }
0x16d: {  	v3 =	vmul.f32 v4, v3;
	_ =	sdelay $0x1  }
0x16e: {  	v2 =	vmul.f32 v3, v2;
	_ =	sdelay $0x1  }
0x16f: {  	v2 =	vmul.f32 v2, v3;
	_ =	sdelay $0x1  }
0x170: {  	v2 =	vsub.f32 $1.500000000e+00, v2  }
.Ltmp3:
0x171: {  	(pc) =	sbr.rel @p2 .LBB2_8-.Ltmp3, $4  }
0x172: {  	v2 =	vmul.f32 v2, v3  }
0x173: {  	vm0 =	vgt.f32 v1, $5.000000000e-01  }
0x174: {  	v1 =	vnsel vm0, $0x0, v2  }
0x175: {  	[tilespmem:s0+$0xC500] =	vst v1;
	s0 =	sshra.s32 s1, $0x2;
	s1 =	sadd.s32 $0x40, s1  }
0x176: {  	v1 =	vld [tilespmem:s0+$0xC500];
	_ =	sdelay $0x4  }
0x177: {  	v2 =	vmax.f32 v1, $1.000000000e+00  }
0x178: {  	v3 =	vshra.s32 v2, $0x1;
	v2 =	vmul.f32 $5.000000000e-01, v2  }
0x179: {  	v3 =	vsub.s32 $0x5F3759DF, v3  }
0x17a: {  	v4 =	vmul.f32 v3, v2;
	_ =	sdelay $0x1  }
0x17b: {  	v4 =	vmul.f32 v3, v4;
	_ =	sdelay $0x1  }
0x17c: {  	v4 =	vsub.f32 $1.500000000e+00, v4;
	_ =	sdelay $0x1  }
0x17d: {  	v3 =	vmul.f32 v3, v4;
	_ =	sdelay $0x1  }
0x17e: {  	v4 =	vmul.f32 v3, v2;
	_ =	sdelay $0x1  }
0x17f: {  	v4 =	vmul.f32 v4, v3;
	_ =	sdelay $0x1  }
0x180: {  	v4 =	vsub.f32 $1.500000000e+00, v4;
	_ =	sdelay $0x1  }
0x181: {  	v3 =	vmul.f32 v4, v3;
	_ =	sdelay $0x1  }
0x182: {  	v2 =	vmul.f32 v3, v2;
	_ =	sdelay $0x1  }
0x183: {  	v2 =	vmul.f32 v2, v3;
	_ =	sdelay $0x1  }
0x184: {  	v2 =	vsub.f32 $1.500000000e+00, v2;
	_ =	sdelay $0x1  }
0x185: {  	v2 =	vmul.f32 v2, v3  }
0x186: {  	vm0 =	vgt.f32 v1, $5.000000000e-01  }
0x187: {  	s4 =	rddreg [dreg:$0xd];
	s5 =	simm.s32 $0x80;
	v1 =	vnsel vm0, $0x0, v2  }
0x188: {  	s6 =	simm.s32 $0x400;
	s30 =	simm.s32 $0xC500;
	s7 =	simm.s32 $0x2;
	[tilespmem:s0+$0xC500] =	vst v1  }
0x189: {  	[spmem:s4] =	stream.strided.scatter [tilespmem:s30], [sflag:$0x2], $0x280, s6, s5, $0x38;
	[tilespmem:$0x13F00] =	vst v63  }
0x18a: {  	_ =	swait.ge [sflag:s7], $0x280  }
0x18b: {  	[sflag:s7] =	ssyncset.done $0x0  }
0x18c: {  	[sflag:s7] =	ssyncadd.s32 $0xFFFFFD80  }
0x18d: {  	[bflag:$0x0] =	sbarrier.arrive $0xFFFF  }
0x18e: {  	s3 =	simm.s32 $0x9D00;
	s31 =	rddreg [dreg:$0x2]  }
0x18f: {  	[tilespmem:s3], [sflag:$0x2] =	stream.strided.gather [spmem:s31], $0x2800, s6, s5, $0x38;
	[tilespmem:$0x13F00] =	vst v63  }
0x190: {  	_ =	swait.ge [sflag:s7], $0x2800  }
0x191: {  	[sflag:s7] =	ssyncset.done $0x0  }
0x192: {  	s2 =	rddreg [dreg:$0x11];
	[sflag:s7] =	ssyncadd.s32 $0xFFFFD800  }
0x193: {  	v1 =	vld [tilespmem:s2+$0xFFFFFFF0]  }
0x194: {  	v2 =	vld [tilespmem:s2+$0x70]  }
0x195: {  	v3 =	vld [tilespmem:s2+$0x0]  }
0x196: {  	v4 =	vld [tilespmem:s2+$0xFFFFFF90]  }
0x197: {  	v5 =	vld [tilespmem:s2+$0x10]  }
0x198: {  	v6 =	vld [tilespmem:s2+$0xFFFFFFA0]  }
0x199: {  	v7 =	vld [tilespmem:s2+$0x20]  }
0x19a: {  	v8 =	vld [tilespmem:s2+$0xFFFFFFB0]  }
0x19b: {  	v10 =	vld [tilespmem:s2+$0xFFFFFFC0]  }
0x19c: {  	v11 =	vld [tilespmem:s2+$0x40]  }
0x19d: {  	v12 =	vld [tilespmem:s2+$0xFFFFFFD0]  }
0x19e: {  	v13 =	vld [tilespmem:s2+$0x50]  }
0x19f: {  	v14 =	vld [tilespmem:s2+$0xFFFFFFE0]  }
0x1a0: {  	v15 =	vld [tilespmem:s2+$0x60]  }
0x1a1: {  	v16 =	vld [tilespmem:s2+$0xFFFFFF80]  }
0x1a2: {  	v9 =	vld.idx.msk [tilespmem:v1+s3+$0x0], $0xffff  }
0x1a3: {  	v2 =	vld.idx.msk [tilespmem:v2+s3+$0x0], $0xffff  }
0x1a4: {  	v1 =	vld [tilespmem:s2+$0x30]  }
0x1a5: {  	v17 =	vld.idx.msk [tilespmem:v3+s3+$0x0], $0xffff  }
0x1a6: {  	v4 =	vld.idx.msk [tilespmem:v4+s3+$0x0], $0xffff  }
0x1a7: {  	v5 =	vld.idx.msk [tilespmem:v5+s3+$0x0], $0xffff  }
0x1a8: {  	v6 =	vld.idx.msk [tilespmem:v6+s3+$0x0], $0xffff  }
0x1a9: {  	v7 =	vld.idx.msk [tilespmem:v7+s3+$0x0], $0xffff  }
0x1aa: {  	v8 =	vld.idx.msk [tilespmem:v8+s3+$0x0], $0xffff  }
0x1ab: {  	v16 =	vld.idx.msk [tilespmem:v16+s3+$0x0], $0xffff  }
0x1ac: {  	v18 =	vld.idx.msk [tilespmem:v1+s3+$0x0], $0xffff  }
0x1ad: {  	v3 =	vld.idx.msk [tilespmem:v11+s3+$0x0], $0xffff  }
0x1ae: {  	v9 =	vmul.f32 v2, v9;
	v2 =	vld.idx.msk [tilespmem:v12+s3+$0x0], $0xffff  }
0x1af: {  	s0 =	simm.s32 $0xEFC0;
	v4 =	vmul.f32 v5, v4;
	v1 =	vld.idx.msk [tilespmem:v10+s3+$0x0], $0xffff  }
0x1b0: {  	v6 =	vmul.f32 v7, v6;
	v5 =	vld.idx.msk [tilespmem:v13+s3+$0x0], $0xffff;
	[tilespmem:s0+$0x30] =	vst v9  }
0x1b1: {  	[tilespmem:s0+$0xFFFFFFD0] =	vst v4;
	v4 =	vld.idx.msk [tilespmem:v14+s3+$0x0], $0xffff;
	v8 =	vmul.f32 v18, v8  }
0x1b2: {  	s1 =	simm.s32 $0x0;
	s2 =	sadd.s32 $0x100, s2;
	v7 =	vmul.f32 v17, v16;
	[tilespmem:s0+$0xFFFFFFE0] =	vst v6;
	v6 =	vld.idx.msk [tilespmem:v15+s3+$0x0], $0xffff  }
.LBB2_10:
0x1b3: {  	v9 =	vld [tilespmem:s2+$0xFFFFFFF0];
	[tilespmem:s0+$0xFFFFFFF0] =	vst v8  }
0x1b4: {  	s1 =	sadd.s32 $0x8, s1;
	v1 =	vmul.f32 v3, v1;
	v8 =	vld [tilespmem:s2+$0x70];
	[tilespmem:s0+$0xFFFFFFC0] =	vst v7  }
0x1b5: {  	p2 =	slt.u32 s1, $0x268;
	v3 =	vld [tilespmem:s2+$0x0]  }
0x1b6: {  	v7 =	vld [tilespmem:s2+$0xFFFFFF90];
	[tilespmem:s0+$0x0] =	vst v1;
	v1 =	vmul.f32 v5, v2  }
0x1b7: {  	v2 =	vld [tilespmem:s2+$0x10]  }
0x1b8: {  	v5 =	vld [tilespmem:s2+$0xFFFFFFA0];
	[tilespmem:s0+$0x10] =	vst v1;
	v1 =	vmul.f32 v6, v4  }
0x1b9: {  	v4 =	vld [tilespmem:s2+$0x20]  }
0x1ba: {  	v6 =	vld [tilespmem:s2+$0xFFFFFFB0];
	[tilespmem:s0+$0x20] =	vst v1  }
0x1bb: {  	v1 =	vld.idx.msk [tilespmem:v9+s3+$0x0], $0xffff  }
0x1bc: {  	v8 =	vld.idx.msk [tilespmem:v8+s3+$0x0], $0xffff  }
0x1bd: {  	v9 =	vld [tilespmem:s2+$0x30]  }
0x1be: {  	v10 =	vld [tilespmem:s2+$0xFFFFFFC0]  }
0x1bf: {  	v11 =	vld [tilespmem:s2+$0x40]  }
0x1c0: {  	v12 =	vld [tilespmem:s2+$0xFFFFFFD0]  }
0x1c1: {  	v13 =	vld [tilespmem:s2+$0x50]  }
0x1c2: {  	v1 =	vmul.f32 v8, v1;
	v14 =	vld [tilespmem:s2+$0xFFFFFFE0]  }
0x1c3: {  	s0 =	sadd.s32 $0x80, s0;
	v15 =	vld [tilespmem:s2+$0x60]  }
0x1c4: {  	v8 =	vld [tilespmem:s2+$0xFFFFFF80];
	[tilespmem:s0+$0x30] =	vst v1  }
0x1c5: {  	v16 =	vld.idx.msk [tilespmem:v3+s3+$0x0], $0xffff  }
0x1c6: {  	v1 =	vld.idx.msk [tilespmem:v7+s3+$0x0], $0xffff  }
0x1c7: {  	v2 =	vld.idx.msk [tilespmem:v2+s3+$0x0], $0xffff  }
0x1c8: {  	v5 =	vld.idx.msk [tilespmem:v5+s3+$0x0], $0xffff  }
0x1c9: {  	v4 =	vld.idx.msk [tilespmem:v4+s3+$0x0], $0xffff  }
0x1ca: {  	v6 =	vld.idx.msk [tilespmem:v6+s3+$0x0], $0xffff  }
0x1cb: {  	v7 =	vld.idx.msk [tilespmem:v9+s3+$0x0], $0xffff  }
0x1cc: {  	v9 =	vld.idx.msk [tilespmem:v8+s3+$0x0], $0xffff  }
0x1cd: {  	v2 =	vmul.f32 v2, v1;
	v1 =	vld.idx.msk [tilespmem:v10+s3+$0x0], $0xffff  }
.Ltmp4:
0x1ce: {  	v3 =	vld.idx.msk [tilespmem:v11+s3+$0x0], $0xffff;
	(pc) =	sbr.rel @p2 .LBB2_10-.Ltmp4, $4  }
0x1cf: {  	v4 =	vmul.f32 v4, v5;
	[tilespmem:s0+$0xFFFFFFD0] =	vst v2;
	v2 =	vld.idx.msk [tilespmem:v12+s3+$0x0], $0xffff  }
0x1d0: {  	v5 =	vld.idx.msk [tilespmem:v13+s3+$0x0], $0xffff  }
0x1d1: {  	v8 =	vmul.f32 v7, v6;
	[tilespmem:s0+$0xFFFFFFE0] =	vst v4;
	v4 =	vld.idx.msk [tilespmem:v14+s3+$0x0], $0xffff  }
0x1d2: {  	s2 =	sadd.s32 $0x100, s2;
	v7 =	vmul.f32 v16, v9;
	v6 =	vld.idx.msk [tilespmem:v15+s3+$0x0], $0xffff  }
0x1d3: {  	_ =	sdelay $0x1  }
0x1d4: {  	[tilespmem:s0+$0xFFFFFFF0] =	vst v8;
	v1 =	vmul.f32 v3, v1  }
0x1d5: {  	[tilespmem:s0+$0xFFFFFFC0] =	vst v7;
	v2 =	vmul.f32 v5, v2  }
0x1d6: {  	[tilespmem:s0+$0x0] =	vst v1;
	v1 =	vmul.f32 v6, v4  }
0x1d7: {  	[tilespmem:s0+$0x10] =	vst v2  }
0x1d8: {  	[tilespmem:s0+$0x20] =	vst v1  }
0x1d9: {  	s1 =	simm.s32 $0xEF80;
	s0 =	rddreg [dreg:$0xe]  }
0x1da: {  	[hbm4b:s0+s10] =	stream.linear.scatter [tilespmem:s1], [sflag:$0x2], $0x2700, $0x38;
	[tilespmem:$0x13F00] =	vst v63  }
0x1db: {  	_ =	swait.ge [sflag:s7], $0x2700  }
0x1dc: {  	[sflag:s7] =	ssyncset.done $0x0  }
0x1dd: {  	[sflag:s7] =	ssyncadd.s32 $0xFFFFD900  }
0x1de: {  	v1 =	vld @p0 [tilespmem:$0x9C00]  }
0x1df: {  	v2 =	vld @p0 [tilespmem:$0x9C80];
	_ =	sdelay $0x5  }
0x1e0: {  	s0 =	simm.s32 @p0 $0x9D00;
	v3 =	vld @p0 [tilespmem:$0x9C10]  }
0x1e1: {  	v1 =	vld.idx.msk @p0 [tilespmem:v1+s0+$0x0], $0xffff  }
0x1e2: {  	v2 =	vld.idx.msk @p0 [tilespmem:v2+s0+$0x0], $0xffff  }
0x1e3: {  	v4 =	vld @p0 [tilespmem:$0x9C90];
	_ =	sdelay $0x3  }
0x1e4: {  	v1 =	vmul.f32 @p0 v2, v1;
	_ =	sdelay $0x1  }
0x1e5: {  	[tilespmem:$0x11680] =	vst @p0 v1  }
0x1e6: {  	v1 =	vld.idx.msk @p0 [tilespmem:v3+s0+$0x0], $0xffff  }
0x1e7: {  	v2 =	vld.idx.msk @p0 [tilespmem:v4+s0+$0x0], $0xffff  }
0x1e8: {  	v3 =	vld @p0 [tilespmem:$0x9C20]  }
0x1e9: {  	v4 =	vld @p0 [tilespmem:$0x9CA0];
	_ =	sdelay $0x3  }
0x1ea: {  	v1 =	vmul.f32 @p0 v2, v1;
	_ =	sdelay $0x1  }
0x1eb: {  	[tilespmem:$0x11690] =	vst @p0 v1  }
0x1ec: {  	v1 =	vld.idx.msk @p0 [tilespmem:v3+s0+$0x0], $0xffff  }
0x1ed: {  	v2 =	vld.idx.msk @p0 [tilespmem:v4+s0+$0x0], $0xffff  }
0x1ee: {  	v3 =	vld @p0 [tilespmem:$0x9C30]  }
0x1ef: {  	v4 =	vld @p0 [tilespmem:$0x9CB0];
	_ =	sdelay $0x3  }
0x1f0: {  	v1 =	vmul.f32 @p0 v2, v1;
	_ =	sdelay $0x1  }
0x1f1: {  	[tilespmem:$0x116A0] =	vst @p0 v1  }
0x1f2: {  	v1 =	vld.idx.msk @p0 [tilespmem:v3+s0+$0x0], $0xffff  }
0x1f3: {  	v2 =	vld.idx.msk @p0 [tilespmem:v4+s0+$0x0], $0xffff  }
0x1f4: {  	v3 =	vld @p0 [tilespmem:$0x9C40]  }
0x1f5: {  	v4 =	vld @p0 [tilespmem:$0x9CC0];
	_ =	sdelay $0x3  }
0x1f6: {  	v1 =	vmul.f32 @p0 v2, v1;
	_ =	sdelay $0x1  }
0x1f7: {  	[tilespmem:$0x116B0] =	vst @p0 v1  }
0x1f8: {  	v1 =	vld.idx.msk @p0 [tilespmem:v3+s0+$0x0], $0xffff  }
0x1f9: {  	v2 =	vld.idx.msk @p0 [tilespmem:v4+s0+$0x0], $0xffff  }
0x1fa: {  	v3 =	vld @p0 [tilespmem:$0x9C50]  }
0x1fb: {  	v4 =	vld @p0 [tilespmem:$0x9CD0];
	_ =	sdelay $0x3  }
0x1fc: {  	v1 =	vmul.f32 @p0 v2, v1;
	_ =	sdelay $0x1  }
0x1fd: {  	[tilespmem:$0x116C0] =	vst @p0 v1  }
0x1fe: {  	v1 =	vld.idx.msk @p0 [tilespmem:v3+s0+$0x0], $0xffff  }
0x1ff: {  	v2 =	vld.idx.msk @p0 [tilespmem:v4+s0+$0x0], $0xffff  }
0x200: {  	v3 =	vld @p0 [tilespmem:$0x9C60]  }
0x201: {  	v4 =	vld @p0 [tilespmem:$0x9CE0];
	_ =	sdelay $0x3  }
0x202: {  	v1 =	vmul.f32 @p0 v2, v1;
	_ =	sdelay $0x1  }
0x203: {  	[tilespmem:$0x116D0] =	vst @p0 v1  }
0x204: {  	v1 =	vld.idx.msk @p0 [tilespmem:v3+s0+$0x0], $0xffff  }
0x205: {  	v2 =	vld.idx.msk @p0 [tilespmem:v4+s0+$0x0], $0xffff  }
0x206: {  	v3 =	vld @p0 [tilespmem:$0x9C70]  }
0x207: {  	v4 =	vld @p0 [tilespmem:$0x9CF0];
	_ =	sdelay $0x3  }
0x208: {  	v1 =	vmul.f32 @p0 v2, v1;
	_ =	sdelay $0x1  }
0x209: {  	[tilespmem:$0x116E0] =	vst @p0 v1  }
0x20a: {  	v1 =	vld.idx.msk @p0 [tilespmem:v3+s0+$0x0], $0xffff  }
0x20b: {  	v2 =	vld.idx.msk @p0 [tilespmem:v4+s0+$0x0], $0xffff;
	_ =	sdelay $0x4  }
0x20c: {  	v1 =	vmul.f32 @p0 v2, v1;
	_ =	sdelay $0x1  }
0x20d: {  	s1 =	simm.s32 @p0 $0x11680;
	s2 =	rddreg [dreg:$0xf];
	s0 =	simm.s32 @p0 $0x0;
	[tilespmem:$0x116F0] =	vst @p0 v1  }
0x20e: {  	[hbm4b:s2+s0] =	stream.linear.scatter @p0 [tilespmem:s1], [sflag:$0x2], $0x80, $0x38;
	[tilespmem:$0x13F00] =	vst v63  }
0x20f: {  	s0 =	simm.s32 @p0 $0x2  }
0x210: {  	_ =	swait.ge @p0 [sflag:s0], $0x80  }
0x211: {  	s30 =	rddreg [dreg:$0x12]  }
0x212: {  	s31 =	rddreg [dreg:$0x10];
	s2 =	sadd.s32 $0x1, s30  }
0x213: {  	p2 =	sne.s32 s2, s31  }
.Ltmp5:
0x214: {  	_ = 	snop;
	(pc) =	sbr.rel @p2 .LBB2_1-.Ltmp5, $3  }
0x215: {  	_ =	sdelay $0x1  }
0x216: {  	[sflag:s0] =	ssyncset.done @p0 $0x0  }
0x217: {  	[sflag:s0] =	ssyncadd.s32 @p0 $0xFFFFFF80  }
0x218: {  	_ =	sfence.sel $0x180000  }
0x219: {  	[bflag:$0x0] =	sbarrier.arrive $0xFFFF  }
0x21a: {  	_ =	strace $0x90000047  }
0x21b: {  	s0 =	stileid.u32;
	[bflag:$0x2] =	sbarrier.arrive $0xFFFF  }
0x21c: {  	p0 =	sne.s32 s0, $0x0;
	s0 =	rddreg [dreg:$0x3]  }
0x21d: {  	s0 =	sadd.s32 @!p0 $0x100000, s0  }
0x21e: {  	[sflag:s0] =	ssyncadd.tile.s32 @!p0 $0x1;
	_ =	shalt  }
.Lfunc_end2:
_tile_overlayer_lowered:
.L_overlay_start_2:
0x21f: {  	(tag) =	ssettag $0x2  }
0x220: {  	s0 =	rddreg [dreg:$0x0];
	s2 =	stileid.u32  }
0x221: {  	s1 =	rddreg [dreg:$0x1];
	p0 =	sne.s32 s2, $0x0  }
0x222: {  	s3 =	rddreg [dreg:$0x2];
	[bflag:$0x3] =	sbarrier.arrive $0xFFFF;
	s2 =	simm.s32 @!p0 $0x1C02  }
0x223: {  	[timem:s3], [sflag:s2] =	dma.local @!p0 [hbm:s0], s1  }
0x224: {  	s0 =	simm.s32 @!p0 $0x2  }
0x225: {  	_ =	swait.ge @!p0 [sflag:s0], s1  }
0x226: {  	s1 =	ssub.s32 @!p0 $0x0, s1;
	[sflag:s0] =	ssyncset.done @!p0 $0x0  }
0x227: {  	[sflag:s0] =	ssyncadd.s32 @!p0 s1  }
0x228: {  	[bflag:$0x3] =	sbarrier.arrive $0xFFFF  }
0x229: {  	_ =	shalt  }

</sc_bundles>
